<compile_context>
chip_gen: v7x
topology: tpu7x:2x2x1
jax: 0.10.2.dev20260603
libtpu: 0.0.44.dev20260713+nightly
codegen_flags: <defaults>
</compile_context>

<pallas_src>
import functools
import math

import jax
import jax.numpy as jnp
import numpy as np
from jax import lax
from jax.experimental import pallas as pl
from jax.experimental.pallas import tpu as pltpu
from jax.experimental.pallas import tpu_sc as plsc

NKP = 15
RADIUS = 1.0
SIGMA = 0.1
KNB = 16
RB = 128
CT = 512
NEG_INF_GUARD = -1.0
INF = float("inf")


def _kernel_points_np():
    pts = []
    offset = 2.0 / NKP
    increment = math.pi * (3.0 - math.sqrt(5.0))
    for i in range(NKP):
        y = i * offset - 1 + offset / 2
        r = math.sqrt(max(0.0, 1 - y * y))
        phi = i * increment
        pts.append([math.cos(phi) * r, y, math.sin(phi) * r])
    return np.asarray(pts, dtype=np.float32) * RADIUS


def _kpm_np():
    kp = _kernel_points_np()
    m = np.zeros((32, 16), dtype=np.float32)
    m[0:3, :NKP] = -2.0 * kp.T
    m[3, :NKP] = np.sum(kp * kp, axis=1)
    m[16:19, :NKP] = 1.0
    return m



def _extract16(av, at, pv, pc):
    w = av.shape[1]
    lane = lax.broadcasted_iota(jnp.int32, (RB, w), 1) % 128
    acol = (at * 128 + lane).astype(jnp.float32)
    cv = jnp.concatenate([pv, av], axis=1)
    cc = jnp.concatenate([pc, acol], axis=1)
    sel_a = jnp.zeros((RB, w), jnp.bool_)
    bigc = jnp.float32(2 ** 30)
    pvs, pcs = [], []
    for _ in range(KNB):
        rowmin = jnp.min(cv, axis=1, keepdims=True)
        eq = cv == rowmin
        colsel = jnp.min(jnp.where(eq, cc, bigc), axis=1, keepdims=True)
        selpos = eq & (cc == colsel)
        pvs.append(rowmin)
        pcs.append(colsel)
        cv = jnp.where(selpos, jnp.float32(INF), cv)
        sel_a = sel_a | selpos[:, KNB:]
    return (jnp.concatenate(pvs, axis=1), jnp.concatenate(pcs, axis=1), sel_a)


def _knn_body(xt_ref, xrow_ref, idx_ref, panel_ref, *, n_valid, np_pad):
    blk = pl.program_id(0)
    nct = np_pad // CT
    qpt = CT // 128

    xb_bf = xt_ref[:, pl.ds(blk * RB, RB)].astype(jnp.bfloat16)
    xbr = xrow_ref[...]
    sqb_col = jnp.sum(xbr * xbr, axis=1, keepdims=True)

    row_g = blk * RB + lax.broadcasted_iota(jnp.int32, (RB, CT), 0)

    def build_fold(t, carry2):
        xt_t = xt_ref[:, pl.ds(t * CT, CT)]
        sq_t = jnp.sum(xt_t * xt_t, axis=0, keepdims=True)
        g = lax.dot_general(xb_bf, xt_t.astype(jnp.bfloat16),
                            (((0,), (0,)), ((), ())),
                            preferred_element_type=jnp.float32)
        d2 = (sqb_col + sq_t) - 2.0 * g
        d2 = jnp.maximum(d2, 0.0)
        col_g = t * CT + lax.broadcasted_iota(jnp.int32, (RB, CT), 1)
        d2 = jnp.where((col_g == row_g) | (col_g >= n_valid),
                       jnp.float32(INF), d2)
        panel_ref[:, pl.ds(t * CT, CT)] = d2
        a1, t1, a2, t2, a3, t3 = carry2
        for c in range(qpt):
            q = t * qpt + c
            chunk = d2[:, c * 128:(c + 1) * 128]
            lt1 = chunk < a1
            lt2 = chunk < a2
            lt3 = chunk < a3
            a3 = jnp.where(lt2, a2, jnp.where(lt3, chunk, a3))
            t3 = jnp.where(lt2, t2, jnp.where(lt3, q, t3))
            a2 = jnp.where(lt1, a1, jnp.where(lt2, chunk, a2))
            t2 = jnp.where(lt1, t1, jnp.where(lt2, q, t2))
            a1 = jnp.where(lt1, chunk, a1)
            t1 = jnp.where(lt1, q, t1)
        return a1, t1, a2, t2, a3, t3

    av0 = jnp.full((RB, 128), INF, jnp.float32)
    at0 = jnp.zeros((RB, 128), jnp.int32)
    a1, t1, a2, t2, a3, t3 = lax.fori_loop(
        0, nct, build_fold, (av0, at0, av0, at0, av0, at0))

    pv0 = jnp.full((RB, KNB), INF, jnp.float32)
    pc0 = jnp.full((RB, KNB), 2 ** 30, jnp.float32)
    pv, pc, sel_a = _extract16(jnp.concatenate([a1, a2, a3], axis=1),
                               jnp.concatenate([t1, t2, t3], axis=1), pv0, pc0)
    sel1 = sel_a[:, :128]
    sel2 = sel_a[:, 128:256]
    sel3 = sel_a[:, 256:]
    dv = jnp.where(sel3, a3, jnp.where(sel2, a2,
                   jnp.where(sel1, a1, jnp.float32(NEG_INF_GUARD))))
    dt = jnp.where(sel3, t3, jnp.where(sel2, t2, jnp.where(sel1, t1, -1)))
    done = jnp.sum(sel3.astype(jnp.int32)) == 0

    def round_body(_, state):
        def do_round(state):
            pv, pc, dv, dt, done = state

            def refold(t, carry):
                av, at = carry
                tile = panel_ref[:, pl.ds(t * CT, CT)]
                dvt = jnp.concatenate([dv] * qpt, axis=1)
                dtt = jnp.concatenate([dt] * qpt, axis=1)
                lane = lax.broadcasted_iota(jnp.int32, (RB, CT), 1)
                qmat = t * qpt + lane // 128
                deleted = (tile < dvt) | ((tile == dvt) & (qmat <= dtt))
                tile = jnp.where(deleted, jnp.float32(INF), tile)
                for c in range(qpt):
                    chunk = tile[:, c * 128:(c + 1) * 128]
                    q = t * qpt + c
                    upd = chunk < av
                    av = jnp.where(upd, chunk, av)
                    at = jnp.where(upd, q, at)
                return av, at

            av, at = lax.fori_loop(0, nct, refold, (av0, at0))
            pv2, pc2, sel_a = _extract16(av, at, pv, pc)
            dv2 = jnp.where(sel_a, av, dv)
            dt2 = jnp.where(sel_a, at, dt)
            done2 = jnp.sum(sel_a.astype(jnp.int32)) == 0
            return pv2, pc2, dv2, dt2, done2

        return lax.cond(state[4], lambda s: s, do_round, state)

    pv, pc, dv, dt, done = lax.fori_loop(
        0, KNB - 1, round_body, (pv, pc, dv, dt, done))
    idx_ref[...] = jnp.clip(pc, 0, n_valid - 1).astype(jnp.int32)


def _knn_topk(xt_pad, n_valid, np_pad):
    nb = np_pad // RB
    xrow = jnp.pad(jnp.transpose(xt_pad), ((0, 0), (0, 5)))
    return pl.pallas_call(
        functools.partial(_knn_body, n_valid=n_valid, np_pad=np_pad),
        grid=(nb,),
        in_specs=[pl.BlockSpec((3, np_pad), lambda i: (0, 0)),
                  pl.BlockSpec((RB, 8), lambda i: (i, 0))],
        out_specs=pl.BlockSpec((RB, KNB), lambda i: (i, 0)),
        out_shape=jax.ShapeDtypeStruct((np_pad, KNB), jnp.int32),
        scratch_shapes=[pltpu.VMEM((RB, np_pad), jnp.float32)],
    )(xt_pad, xrow)



def _sc_gather(feat_t, coord_t, idx_flat, np_pad):
    ne = idx_flat.shape[0]
    info = plsc.get_sparse_core_info()
    nw = info.num_cores * info.num_subcores
    b_per_w = ne // nw
    ch = 128
    nch = b_per_w // ch
    mesh = plsc.VectorSubcoreMesh(core_axis_name="c", subcore_axis_name="s")

    @functools.partial(
        pl.kernel, mesh=mesh,
        out_type=[jax.ShapeDtypeStruct((ne, 128), jnp.float32),
                  jax.ShapeDtypeStruct((ne, 128), jnp.float32)],
        scratch_types=[pltpu.VMEM((ch,), jnp.int32),
                       pltpu.VMEM((ch,), jnp.int32),
                       pltpu.VMEM((ch, 128), jnp.float32),
                       pltpu.VMEM((ch, 128), jnp.float32),
                       pltpu.VMEM((ch, 128), jnp.float32),
                       pltpu.VMEM((ch, 128), jnp.float32),
                       pltpu.SemaphoreType.DMA,
                       pltpu.SemaphoreType.DMA,
                       pltpu.SemaphoreType.DMA,
                       pltpu.SemaphoreType.DMA],
    )
    def gather(tf_hbm, tc_hbm, idx_hbm, outf_hbm, outc_hbm,
               idx_v0, idx_v1, rf_v0, rc_v0, rf_v1, rc_v1,
               sem_f0, sem_c0, sem_f1, sem_c1):
        wid = lax.axis_index("s") * info.num_cores + lax.axis_index("c")
        base = wid * b_per_w

        def body(c2, carry):
            off0 = base + (2 * c2) * ch
            off1 = off0 + ch
            pltpu.sync_copy(idx_hbm.at[pl.ds(off0, ch)], idx_v0)
            pltpu.sync_copy(idx_hbm.at[pl.ds(off1, ch)], idx_v1)
            cpf0 = pltpu.async_copy(tf_hbm.at[idx_v0], rf_v0, sem_f0)
            cpc0 = pltpu.async_copy(tc_hbm.at[idx_v0], rc_v0, sem_c0)
            cpf1 = pltpu.async_copy(tf_hbm.at[idx_v1], rf_v1, sem_f1)
            cpc1 = pltpu.async_copy(tc_hbm.at[idx_v1], rc_v1, sem_c1)
            cpf0.wait()
            cpc0.wait()
            pltpu.sync_copy(rf_v0, outf_hbm.at[pl.ds(off0, ch)])
            pltpu.sync_copy(rc_v0, outc_hbm.at[pl.ds(off0, ch)])
            cpf1.wait()
            cpc1.wait()
            pltpu.sync_copy(rf_v1, outf_hbm.at[pl.ds(off1, ch)])
            pltpu.sync_copy(rc_v1, outc_hbm.at[pl.ds(off1, ch)])
            return carry

        lax.fori_loop(0, nch // 2, body, 0)

    return gather(feat_t, coord_t, idx_flat)



def _agg_body(nf_ref, nc_ref, xa_ref, kpm_ref, w2_ref, bias_ref, out_ref):
    pb = RB
    nf = nf_ref[...]
    nc = nc_ref[:, :16]
    xa = xa_ref[...]

    e_iota = lax.broadcasted_iota(jnp.int32, (pb * KNB, pb), 0) // KNB
    p_iota = lax.broadcasted_iota(jnp.int32, (pb * KNB, pb), 1)
    r_mat = (e_iota == p_iota).astype(jnp.float32)
    xrep = jnp.dot(r_mat, xa, precision=lax.Precision.HIGHEST,
                   preferred_element_type=jnp.float32)

    de = nc - xrep
    lane16 = lax.broadcasted_iota(jnp.int32, (pb * KNB, 16), 1)
    aug = jnp.where(lane16 == 3, 1.0, de)
    x2 = jnp.concatenate([aug, de * de], axis=1)
    sqd = jnp.dot(x2, kpm_ref[...], precision=lax.Precision.HIGHEST,
                  preferred_element_type=jnp.float32)
    infl = jnp.exp(sqd * (-1.0 / (SIGMA * SIGMA)))

    k_iota = lax.broadcasted_iota(jnp.int32, (16, 128), 0)
    acc = jnp.zeros((pb, 128), jnp.float32)
    for k in range(NKP):
        onehot_k = (k_iota == k).astype(jnp.float32)
        bc_k = jnp.dot(infl, onehot_k,
                       preferred_element_type=jnp.float32)
        prod = (bc_k * nf).reshape(pb, KNB, 128)
        s = prod[:, :8, :] + prod[:, 8:, :]
        s = s[:, :4, :] + s[:, 4:, :]
        s = s[:, :2, :] + s[:, 2:, :]
        agg_k = (s[:, :1, :] + s[:, 1:, :]).reshape(pb, 128)
        acc = acc + jnp.dot(agg_k, w2_ref[k],
                            preferred_element_type=jnp.float32)
    out_ref[...] = jnp.transpose(acc + bias_ref[...])


def _kpconv_agg(nf, nc, xa, kpm, w2, bias2d, np_pad):
    nb = np_pad // RB
    return pl.pallas_call(
        _agg_body,
        grid=(nb,),
        in_specs=[
            pl.BlockSpec((RB * KNB, 128), lambda i: (i, 0)),
            pl.BlockSpec((RB * KNB, 128), lambda i: (i, 0)),
            pl.BlockSpec((RB, 16), lambda i: (i, 0)),
            pl.BlockSpec((32, 16), lambda i: (0, 0)),
            pl.BlockSpec((NKP, 128, 128), lambda i: (0, 0, 0)),
            pl.BlockSpec((1, 128), lambda i: (0, 0)),
        ],
        out_specs=pl.BlockSpec((128, RB), lambda i: (0, i)),
        out_shape=jax.ShapeDtypeStruct((128, np_pad), jnp.float32),
    )(nf, nc, xa, kpm, w2, bias2d)



def kernel(coords, features, kernel_weights, bias):
    b, _, n = coords.shape
    np_pad = ((n + CT - 1) // CT) * CT

    xt = coords[0]
    xt_pad = jnp.pad(xt, ((0, 0), (0, np_pad - n)))

    idx2d = _knn_topk(xt_pad, n, np_pad)
    idx_flat = idx2d.reshape(np_pad * KNB)

    feat_t = jnp.pad(features[0].T, ((0, np_pad - n), (0, 0)))
    coord_w = jnp.pad(xt.T, ((0, np_pad - n), (0, 125)))
    coord_t = coord_w[:, :16]

    nf, nc = _sc_gather(feat_t, coord_w, idx_flat, np_pad)

    kpm = jnp.asarray(_kpm_np())
    out = _kpconv_agg(nf, nc, coord_t, kpm, kernel_weights,
                      bias.reshape(1, -1), np_pad)
    return out[:, :n][None]

# --- scband reference (transcript-rebuilt; emitter-appended) ---
"""Pipeline reference for scband-kpconv-29970281791917 (READ-ONLY COPY).

The authoritative reference and input builder live on the scoring server;
editing this copy changes nothing except your own understanding.
"""

import jax, jax.numpy as jnp
import numpy as np
import math

NUM_KERNEL_POINTS = 15
RADIUS = 1.0
SIGMA = 0.1
K_NEIGHBORS = 16


def generate_kernel_points(num_points, radius):
    points = []
    offset = 2.0 / num_points
    increment = math.pi * (3.0 - math.sqrt(5.0))
    for i in range(num_points):
        y = i * offset - 1 + offset / 2
        r = math.sqrt(max(0, 1 - y * y))
        phi = i * increment
        x = math.cos(phi) * r
        z = math.sin(phi) * r
        points.append([x, y, z])
    return jnp.asarray(np.array(points, dtype=np.float32)) * radius


def knn_query(X, k):
    # X: (B, N, 3); torch.cdist equivalent via gram trick, exclude self, smallest-k
    B, N, _ = X.shape
    sq = jnp.sum(X * X, axis=-1)
    d2 = sq[:, :, None] + sq[:, None, :] - 2.0 * jnp.einsum('bnd,bmd->bnm', X, X)
    dists = jnp.sqrt(jnp.maximum(d2, 0.0))
    eye = jnp.eye(N, dtype=bool)[None]
    dists = jnp.where(eye, jnp.inf, dists)
    _, idx = jax.lax.top_k(-dists, k)
    return idx


def setup_inputs(seed: int = 0):
    key = jax.random.key(seed)
    k1, k2, k3 = jax.random.split(key, 3)
    B, N = 1, 10000
    Cin, Cout = 128, 128
    coords = jax.random.normal(k1, (B, 3, N), dtype=jnp.float32)
    features = jax.random.normal(k2, (B, Cin, N), dtype=jnp.float32)
    kernel_weights = jax.random.normal(k3, (NUM_KERNEL_POINTS, Cin, Cout), dtype=jnp.float32)
    bias = jnp.zeros((Cout,), dtype=jnp.float32)
    return {"coords": coords, "features": features, "kernel_weights": kernel_weights, "bias": bias}


def reference(coords, features, kernel_weights, bias):
    kernel_points = generate_kernel_points(NUM_KERNEL_POINTS, RADIUS)
    B = coords.shape[0]
    N = coords.shape[2]
    X = jnp.transpose(coords, (0, 2, 1))      # (B, N, 3)
    feat = jnp.transpose(features, (0, 2, 1)) # (B, N, Cin)
    nbr_idx = knn_query(X, K_NEIGHBORS)       # (B, N, k)
    b_idx = jnp.arange(B)[:, None, None]
    neighbor_coords = X[b_idx, nbr_idx]       # (B, N, k, 3) gather
    neighbor_features = feat[b_idx, nbr_idx]  # (B, N, k, Cin) gather
    diff = neighbor_coords - X[:, :, None, :]
    diff_rel = diff[:, :, :, None, :] - kernel_points[None, None, None, :, :]
    sq_dist = jnp.sum(diff_rel ** 2, axis=-1)             # (B, N, k, K)
    influence = jnp.exp(-sq_dist / (SIGMA ** 2))
    aggregated = jnp.einsum('bnki,bnkc->bnic', influence, neighbor_features)
    out = jnp.einsum('bnki,kio->bno', aggregated, kernel_weights)
    out = out + bias
    return jnp.transpose(out, (0, 2, 1))

if __name__ == "__main__":
    import jax
    _d = setup_inputs()
    print(jax.jit(kernel)(*tuple(_d.values())))

</pallas_src>

<mosaic_0001>
#map = affine_map<(d0, d1) -> (0, 0)>
#map1 = affine_map<(d0, d1) -> (0)>
module attributes {stable_mosaic.version = 14 : i64} {
  func.func @gather(%arg0: i32, %arg1: i32, %arg2: memref<10240x128xf32, #tpu.memory_space<hbm>>, %arg3: memref<10240x128xf32, #tpu.memory_space<hbm>>, %arg4: memref<163840xi32, #tpu.memory_space<hbm>>, %arg5: memref<163840x128xf32, #tpu.memory_space<hbm>>, %arg6: memref<163840x128xf32, #tpu.memory_space<hbm>>, %arg7: memref<128xi32, #tpu.memory_space<vmem>>, %arg8: memref<128xi32, #tpu.memory_space<vmem>>, %arg9: memref<128x128xf32, #tpu.memory_space<vmem>>, %arg10: memref<128x128xf32, #tpu.memory_space<vmem>>, %arg11: memref<128x128xf32, #tpu.memory_space<vmem>>, %arg12: memref<128x128xf32, #tpu.memory_space<vmem>>, %arg13: memref<!tpu.dma_semaphore, #tpu.memory_space<semaphore_mem>>, %arg14: memref<!tpu.dma_semaphore, #tpu.memory_space<semaphore_mem>>, %arg15: memref<!tpu.dma_semaphore, #tpu.memory_space<semaphore_mem>>, %arg16: memref<!tpu.dma_semaphore, #tpu.memory_space<semaphore_mem>>) attributes {dimension_semantics = [#tpu.dimension_semantics<core_parallel>, #tpu.dimension_semantics<subcore_parallel>], iteration_bounds = array<i64: 2, 16>, scalar_prefetch = 0 : i64, scratch_operands = 10 : i64, tpu.core_type = #tpu.core_type<sc_vector_subcore>, window_params = [{transform_indices = #map}, {transform_indices = #map}, {transform_indices = #map1}, {transform_indices = #map}, {transform_indices = #map}]} {
    %mul3A = arith.constant 2 : i32
    %mul3A_0 = arith.muli %arg1, %mul3A : i32
    %add3A = arith.addi %mul3A_0, %arg0 : i32
    %mul3A_1 = arith.constant 5120 : i32
    %mul3A_2 = arith.muli %add3A, %mul3A_1 : i32
    %scan3A = arith.constant 0 : i32
    %scan3A_3 = arith.constant 0 : i32
    %scan3A_4 = arith.constant 20 : i32
    %scan3A_5 = arith.addi %scan3A_3, %scan3A_4 : i32
    %scan3A_6 = arith.constant 1 : i32
    scf.for %scan3A_8 = %scan3A_3 to %scan3A_5 step %scan3A_6  : i32 {
      %mul3A_9 = arith.constant 2 : i32
      %mul3A_10 = arith.muli %mul3A_9, %scan3A_8 : i32
      %mul3A_11 = arith.constant 128 : i32
      %mul3A_12 = arith.muli %mul3A_10, %mul3A_11 : i32
      %add3A_13 = arith.addi %mul3A_2, %mul3A_12 : i32
      %add3A_14 = arith.constant 128 : i32
      %add3A_15 = arith.addi %add3A_13, %add3A_14 : i32
      "tpu.region"() ({
        %run_scoped3A = tpu.sem_alloc : memref<!tpu.dma_semaphore, #tpu.memory_space<semaphore_mem>>
        %dma_start3A_38 = tpu.memref_slice %arg4[%add3A_13] : memref<163840xi32, #tpu.memory_space<hbm>> -> memref<128xi32, #tpu.memory_space<hbm>>
        %dma_start3A_39 = tpu.memref_slice %arg4[%add3A_13] : memref<163840xi32, #tpu.memory_space<hbm>> -> memref<128xi32, #tpu.memory_space<hbm>>
        tpu.enqueue_dma source(%dma_start3A_39 : memref<128xi32, #tpu.memory_space<hbm>>) target(%arg7 : memref<128xi32, #tpu.memory_space<vmem>>) target_semaphore(%run_scoped3A : memref<!tpu.dma_semaphore, #tpu.memory_space<semaphore_mem>>)
        %dma_wait3A_40 = tpu.memref_slice %arg4[%add3A_13] : memref<163840xi32, #tpu.memory_space<hbm>> -> memref<128xi32, #tpu.memory_space<hbm>>
        %dma_wait3A_41 = tpu.memref_slice %arg4[%add3A_13] : memref<163840xi32, #tpu.memory_space<hbm>> -> memref<128xi32, #tpu.memory_space<hbm>>
        tpu.wait_dma2 semaphore(%run_scoped3A : memref<!tpu.dma_semaphore, #tpu.memory_space<semaphore_mem>>) src(%dma_wait3A_41 : memref<128xi32, #tpu.memory_space<hbm>>) dst(%arg7 : memref<128xi32, #tpu.memory_space<vmem>>)
        tpu.yield
      }) : () -> ()
      "tpu.region"() ({
        %run_scoped3A = tpu.sem_alloc : memref<!tpu.dma_semaphore, #tpu.memory_space<semaphore_mem>>
        %dma_start3A_38 = tpu.memref_slice %arg4[%add3A_15] : memref<163840xi32, #tpu.memory_space<hbm>> -> memref<128xi32, #tpu.memory_space<hbm>>
        %dma_start3A_39 = tpu.memref_slice %arg4[%add3A_15] : memref<163840xi32, #tpu.memory_space<hbm>> -> memref<128xi32, #tpu.memory_space<hbm>>
        tpu.enqueue_dma source(%dma_start3A_39 : memref<128xi32, #tpu.memory_space<hbm>>) target(%arg8 : memref<128xi32, #tpu.memory_space<vmem>>) target_semaphore(%run_scoped3A : memref<!tpu.dma_semaphore, #tpu.memory_space<semaphore_mem>>)
        %dma_wait3A_40 = tpu.memref_slice %arg4[%add3A_15] : memref<163840xi32, #tpu.memory_space<hbm>> -> memref<128xi32, #tpu.memory_space<hbm>>
        %dma_wait3A_41 = tpu.memref_slice %arg4[%add3A_15] : memref<163840xi32, #tpu.memory_space<hbm>> -> memref<128xi32, #tpu.memory_space<hbm>>
        tpu.wait_dma2 semaphore(%run_scoped3A : memref<!tpu.dma_semaphore, #tpu.memory_space<semaphore_mem>>) src(%dma_wait3A_41 : memref<128xi32, #tpu.memory_space<hbm>>) dst(%arg8 : memref<128xi32, #tpu.memory_space<vmem>>)
        tpu.yield
      }) : () -> ()
      %dma_start3A = arith.constant 0 : i32
      %dma_start3A_16 = arith.constant 0 : i32
      %dma_start3A_17 = tpu.memref_slice %arg2[%dma_start3A, %dma_start3A_16] : memref<10240x128xf32, #tpu.memory_space<hbm>> -> memref<10240x128xf32, #tpu.memory_space<hbm>>
      tpu.enqueue_indirect_dma source(%dma_start3A_17 : memref<10240x128xf32, #tpu.memory_space<hbm>>) target(%arg9 : memref<128x128xf32, #tpu.memory_space<vmem>>) offsets(%arg7 : memref<128xi32, #tpu.memory_space<vmem>>) semaphore(%arg13 : memref<!tpu.dma_semaphore, #tpu.memory_space<semaphore_mem>>)
      %dma_start3A_18 = arith.constant 0 : i32
      %dma_start3A_19 = arith.constant 0 : i32
      %dma_start3A_20 = tpu.memref_slice %arg3[%dma_start3A_18, %dma_start3A_19] : memref<10240x128xf32, #tpu.memory_space<hbm>> -> memref<10240x128xf32, #tpu.memory_space<hbm>>
      tpu.enqueue_indirect_dma source(%dma_start3A_20 : memref<10240x128xf32, #tpu.memory_space<hbm>>) target(%arg10 : memref<128x128xf32, #tpu.memory_space<vmem>>) offsets(%arg7 : memref<128xi32, #tpu.memory_space<vmem>>) semaphore(%arg14 : memref<!tpu.dma_semaphore, #tpu.memory_space<semaphore_mem>>)
      %dma_start3A_21 = arith.constant 0 : i32
      %dma_start3A_22 = arith.constant 0 : i32
      %dma_start3A_23 = tpu.memref_slice %arg2[%dma_start3A_21, %dma_start3A_22] : memref<10240x128xf32, #tpu.memory_space<hbm>> -> memref<10240x128xf32, #tpu.memory_space<hbm>>
      tpu.enqueue_indirect_dma source(%dma_start3A_23 : memref<10240x128xf32, #tpu.memory_space<hbm>>) target(%arg11 : memref<128x128xf32, #tpu.memory_space<vmem>>) offsets(%arg8 : memref<128xi32, #tpu.memory_space<vmem>>) semaphore(%arg15 : memref<!tpu.dma_semaphore, #tpu.memory_space<semaphore_mem>>)
      %dma_start3A_24 = arith.constant 0 : i32
      %dma_start3A_25 = arith.constant 0 : i32
      %dma_start3A_26 = tpu.memref_slice %arg3[%dma_start3A_24, %dma_start3A_25] : memref<10240x128xf32, #tpu.memory_space<hbm>> -> memref<10240x128xf32, #tpu.memory_space<hbm>>
      tpu.enqueue_indirect_dma source(%dma_start3A_26 : memref<10240x128xf32, #tpu.memory_space<hbm>>) target(%arg12 : memref<128x128xf32, #tpu.memory_space<vmem>>) offsets(%arg8 : memref<128xi32, #tpu.memory_space<vmem>>) semaphore(%arg16 : memref<!tpu.dma_semaphore, #tpu.memory_space<semaphore_mem>>)
      %dma_wait3A = arith.constant 0 : i32
      %dma_wait3A_27 = arith.constant 0 : i32
      %dma_wait3A_28 = tpu.memref_slice %arg2[%dma_wait3A, %dma_wait3A_27] : memref<10240x128xf32, #tpu.memory_space<hbm>> -> memref<10240x128xf32, #tpu.memory_space<hbm>>
      tpu.wait_indirect_dma semaphore(%arg13 : memref<!tpu.dma_semaphore, #tpu.memory_space<semaphore_mem>>) src(%dma_wait3A_28 : memref<10240x128xf32, #tpu.memory_space<hbm>>) dst(%arg9 : memref<128x128xf32, #tpu.memory_space<vmem>>)
      %dma_wait3A_29 = arith.constant 0 : i32
      %dma_wait3A_30 = arith.constant 0 : i32
      %dma_wait3A_31 = tpu.memref_slice %arg3[%dma_wait3A_29, %dma_wait3A_30] : memref<10240x128xf32, #tpu.memory_space<hbm>> -> memref<10240x128xf32, #tpu.memory_space<hbm>>
      tpu.wait_indirect_dma semaphore(%arg14 : memref<!tpu.dma_semaphore, #tpu.memory_space<semaphore_mem>>) src(%dma_wait3A_31 : memref<10240x128xf32, #tpu.memory_space<hbm>>) dst(%arg10 : memref<128x128xf32, #tpu.memory_space<vmem>>)
      "tpu.region"() ({
        %run_scoped3A = tpu.sem_alloc : memref<!tpu.dma_semaphore, #tpu.memory_space<semaphore_mem>>
        %dma_start3A_38 = arith.constant 0 : i32
        %dma_start3A_39 = tpu.memref_slice %arg5[%add3A_13, %dma_start3A_38] : memref<163840x128xf32, #tpu.memory_space<hbm>> -> memref<128x128xf32, #tpu.memory_space<hbm>>
        %dma_start3A_40 = arith.constant 0 : i32
        %dma_start3A_41 = tpu.memref_slice %arg5[%add3A_13, %dma_start3A_40] : memref<163840x128xf32, #tpu.memory_space<hbm>> -> memref<128x128xf32, #tpu.memory_space<hbm>>
        tpu.enqueue_dma source(%arg9 : memref<128x128xf32, #tpu.memory_space<vmem>>) target(%dma_start3A_41 : memref<128x128xf32, #tpu.memory_space<hbm>>) target_semaphore(%run_scoped3A : memref<!tpu.dma_semaphore, #tpu.memory_space<semaphore_mem>>)
        %dma_wait3A_42 = arith.constant 0 : i32
        %dma_wait3A_43 = tpu.memref_slice %arg5[%add3A_13, %dma_wait3A_42] : memref<163840x128xf32, #tpu.memory_space<hbm>> -> memref<128x128xf32, #tpu.memory_space<hbm>>
        %dma_wait3A_44 = arith.constant 0 : i32
        %dma_wait3A_45 = tpu.memref_slice %arg5[%add3A_13, %dma_wait3A_44] : memref<163840x128xf32, #tpu.memory_space<hbm>> -> memref<128x128xf32, #tpu.memory_space<hbm>>
        tpu.wait_dma2 semaphore(%run_scoped3A : memref<!tpu.dma_semaphore, #tpu.memory_space<semaphore_mem>>) src(%arg9 : memref<128x128xf32, #tpu.memory_space<vmem>>) dst(%dma_wait3A_45 : memref<128x128xf32, #tpu.memory_space<hbm>>)
        tpu.yield
      }) : () -> ()
      "tpu.region"() ({
        %run_scoped3A = tpu.sem_alloc : memref<!tpu.dma_semaphore, #tpu.memory_space<semaphore_mem>>
        %dma_start3A_38 = arith.constant 0 : i32
        %dma_start3A_39 = tpu.memref_slice %arg6[%add3A_13, %dma_start3A_38] : memref<163840x128xf32, #tpu.memory_space<hbm>> -> memref<128x128xf32, #tpu.memory_space<hbm>>
        %dma_start3A_40 = arith.constant 0 : i32
        %dma_start3A_41 = tpu.memref_slice %arg6[%add3A_13, %dma_start3A_40] : memref<163840x128xf32, #tpu.memory_space<hbm>> -> memref<128x128xf32, #tpu.memory_space<hbm>>
        tpu.enqueue_dma source(%arg10 : memref<128x128xf32, #tpu.memory_space<vmem>>) target(%dma_start3A_41 : memref<128x128xf32, #tpu.memory_space<hbm>>) target_semaphore(%run_scoped3A : memref<!tpu.dma_semaphore, #tpu.memory_space<semaphore_mem>>)
        %dma_wait3A_42 = arith.constant 0 : i32
        %dma_wait3A_43 = tpu.memref_slice %arg6[%add3A_13, %dma_wait3A_42] : memref<163840x128xf32, #tpu.memory_space<hbm>> -> memref<128x128xf32, #tpu.memory_space<hbm>>
        %dma_wait3A_44 = arith.constant 0 : i32
        %dma_wait3A_45 = tpu.memref_slice %arg6[%add3A_13, %dma_wait3A_44] : memref<163840x128xf32, #tpu.memory_space<hbm>> -> memref<128x128xf32, #tpu.memory_space<hbm>>
        tpu.wait_dma2 semaphore(%run_scoped3A : memref<!tpu.dma_semaphore, #tpu.memory_space<semaphore_mem>>) src(%arg10 : memref<128x128xf32, #tpu.memory_space<vmem>>) dst(%dma_wait3A_45 : memref<128x128xf32, #tpu.memory_space<hbm>>)
        tpu.yield
      }) : () -> ()
      %dma_wait3A_32 = arith.constant 0 : i32
      %dma_wait3A_33 = arith.constant 0 : i32
      %dma_wait3A_34 = tpu.memref_slice %arg2[%dma_wait3A_32, %dma_wait3A_33] : memref<10240x128xf32, #tpu.memory_space<hbm>> -> memref<10240x128xf32, #tpu.memory_space<hbm>>
      tpu.wait_indirect_dma semaphore(%arg15 : memref<!tpu.dma_semaphore, #tpu.memory_space<semaphore_mem>>) src(%dma_wait3A_34 : memref<10240x128xf32, #tpu.memory_space<hbm>>) dst(%arg11 : memref<128x128xf32, #tpu.memory_space<vmem>>)
      %dma_wait3A_35 = arith.constant 0 : i32
      %dma_wait3A_36 = arith.constant 0 : i32
      %dma_wait3A_37 = tpu.memref_slice %arg3[%dma_wait3A_35, %dma_wait3A_36] : memref<10240x128xf32, #tpu.memory_space<hbm>> -> memref<10240x128xf32, #tpu.memory_space<hbm>>
      tpu.wait_indirect_dma semaphore(%arg16 : memref<!tpu.dma_semaphore, #tpu.memory_space<semaphore_mem>>) src(%dma_wait3A_37 : memref<10240x128xf32, #tpu.memory_space<hbm>>) dst(%arg12 : memref<128x128xf32, #tpu.memory_space<vmem>>)
      "tpu.region"() ({
        %run_scoped3A = tpu.sem_alloc : memref<!tpu.dma_semaphore, #tpu.memory_space<semaphore_mem>>
        %dma_start3A_38 = arith.constant 0 : i32
        %dma_start3A_39 = tpu.memref_slice %arg5[%add3A_15, %dma_start3A_38] : memref<163840x128xf32, #tpu.memory_space<hbm>> -> memref<128x128xf32, #tpu.memory_space<hbm>>
        %dma_start3A_40 = arith.constant 0 : i32
        %dma_start3A_41 = tpu.memref_slice %arg5[%add3A_15, %dma_start3A_40] : memref<163840x128xf32, #tpu.memory_space<hbm>> -> memref<128x128xf32, #tpu.memory_space<hbm>>
        tpu.enqueue_dma source(%arg11 : memref<128x128xf32, #tpu.memory_space<vmem>>) target(%dma_start3A_41 : memref<128x128xf32, #tpu.memory_space<hbm>>) target_semaphore(%run_scoped3A : memref<!tpu.dma_semaphore, #tpu.memory_space<semaphore_mem>>)
        %dma_wait3A_42 = arith.constant 0 : i32
        %dma_wait3A_43 = tpu.memref_slice %arg5[%add3A_15, %dma_wait3A_42] : memref<163840x128xf32, #tpu.memory_space<hbm>> -> memref<128x128xf32, #tpu.memory_space<hbm>>
        %dma_wait3A_44 = arith.constant 0 : i32
        %dma_wait3A_45 = tpu.memref_slice %arg5[%add3A_15, %dma_wait3A_44] : memref<163840x128xf32, #tpu.memory_space<hbm>> -> memref<128x128xf32, #tpu.memory_space<hbm>>
        tpu.wait_dma2 semaphore(%run_scoped3A : memref<!tpu.dma_semaphore, #tpu.memory_space<semaphore_mem>>) src(%arg11 : memref<128x128xf32, #tpu.memory_space<vmem>>) dst(%dma_wait3A_45 : memref<128x128xf32, #tpu.memory_space<hbm>>)
        tpu.yield
      }) : () -> ()
      "tpu.region"() ({
        %run_scoped3A = tpu.sem_alloc : memref<!tpu.dma_semaphore, #tpu.memory_space<semaphore_mem>>
        %dma_start3A_38 = arith.constant 0 : i32
        %dma_start3A_39 = tpu.memref_slice %arg6[%add3A_15, %dma_start3A_38] : memref<163840x128xf32, #tpu.memory_space<hbm>> -> memref<128x128xf32, #tpu.memory_space<hbm>>
        %dma_start3A_40 = arith.constant 0 : i32
        %dma_start3A_41 = tpu.memref_slice %arg6[%add3A_15, %dma_start3A_40] : memref<163840x128xf32, #tpu.memory_space<hbm>> -> memref<128x128xf32, #tpu.memory_space<hbm>>
        tpu.enqueue_dma source(%arg12 : memref<128x128xf32, #tpu.memory_space<vmem>>) target(%dma_start3A_41 : memref<128x128xf32, #tpu.memory_space<hbm>>) target_semaphore(%run_scoped3A : memref<!tpu.dma_semaphore, #tpu.memory_space<semaphore_mem>>)
        %dma_wait3A_42 = arith.constant 0 : i32
        %dma_wait3A_43 = tpu.memref_slice %arg6[%add3A_15, %dma_wait3A_42] : memref<163840x128xf32, #tpu.memory_space<hbm>> -> memref<128x128xf32, #tpu.memory_space<hbm>>
        %dma_wait3A_44 = arith.constant 0 : i32
        %dma_wait3A_45 = tpu.memref_slice %arg6[%add3A_15, %dma_wait3A_44] : memref<163840x128xf32, #tpu.memory_space<hbm>> -> memref<128x128xf32, #tpu.memory_space<hbm>>
        tpu.wait_dma2 semaphore(%run_scoped3A : memref<!tpu.dma_semaphore, #tpu.memory_space<semaphore_mem>>) src(%arg12 : memref<128x128xf32, #tpu.memory_space<vmem>>) dst(%dma_wait3A_45 : memref<128x128xf32, #tpu.memory_space<hbm>>)
        tpu.yield
      }) : () -> ()
    }
    %scan3A_7 = arith.constant 20 : i32
    return
  }
}

module attributes {stable_mosaic.version = 14 : i64} {
  func.func @_knn_body(%arg0: i32, %arg1: memref<3x10240xf32, #tpu.memory_space<vmem>>, %arg2: memref<128x8xf32, #tpu.memory_space<vmem>>, %arg3: memref<128x16xi32, #tpu.memory_space<vmem>>, %arg4: memref<128x10240xf32, #tpu.memory_space<vmem>>) attributes {dimension_semantics = [#tpu.dimension_semantics<arbitrary>], iteration_bounds = array<i64: 80>, scalar_prefetch = 0 : i64, scratch_operands = 1 : i64, tpu.core_type = #tpu.core_type<tc>, window_params = [{pipeline_mode = #tpu.pipeline_mode<synchronous>, transform_indices = @transform_0, window_bounds = array<i64: 3, 10240>}, {transform_indices = @transform_1, window_bounds = array<i64: 128, 8>}, {transform_indices = @transform_2, window_bounds = array<i64: 128, 16>}]} {
    %mul3A = arith.constant 128 : i32
    %mul3A_0 = arith.muli %arg0, %mul3A : i32
    %get3A = arith.constant 0 : index
    %get3A_1 = arith.index_cast %mul3A_0 : i32 to index
    %get3A_2 = vector.load %arg1[%get3A, %get3A_1] : memref<3x10240xf32, #tpu.memory_space<vmem>>, vector<3x128xf32>
    %convert_element_type3A = arith.truncf %get3A_2 : vector<3x128xf32> to vector<3x128xbf16>
    %get3A_3 = arith.constant 0 : index
    %get3A_4 = arith.constant 0 : index
    %get3A_5 = vector.load %arg2[%get3A_3, %get3A_4] : memref<128x8xf32, #tpu.memory_space<vmem>>, vector<128x8xf32>
    %mul3A_6 = arith.mulf %get3A_5, %get3A_5 : vector<128x8xf32>
    %reduce_sum3A = arith.constant dense<0.000000e+00> : vector<128xf32>
    %reduce_sum3A_7 = vector.multi_reduction <add>, %mul3A_6, %reduce_sum3A [1] : vector<128x8xf32> to vector<128xf32>
    %broadcast_in_dim3A = vector.shape_cast %reduce_sum3A_7 : vector<128xf32> to vector<128x1xf32>
    %mul3A_8 = arith.constant 128 : i32
    %mul3A_9 = arith.muli %arg0, %mul3A_8 : i32
    %iota3A = tpu.iota {dimensions = array<i32: 0>} : vector<128x512xi32>
    %add3A = vector.broadcast %mul3A_9 : i32 to vector<128x512xi32>
    %add3A_10 = arith.addi %add3A, %iota3A : vector<128x512xi32>
    %broadcast_in_dim3A_11 = arith.constant 0x7F800000 : f32
    %broadcast_in_dim3A_12 = vector.broadcast %broadcast_in_dim3A_11 : f32 to vector<128x128xf32>
    %broadcast_in_dim3A_13 = arith.constant 0 : i32
    %broadcast_in_dim3A_14 = vector.broadcast %broadcast_in_dim3A_13 : i32 to vector<128x128xi32>
    %scan3A = arith.constant 0 : i32
    %scan3A_15 = arith.constant 20 : i32
    %scan3A_16 = arith.addi %scan3A, %scan3A_15 : i32
    %scan3A_17 = arith.constant 1 : i32
    %scan3A_18:6 = scf.for %scan3A_385 = %scan3A to %scan3A_16 step %scan3A_17 iter_args(%scan3A_386 = %broadcast_in_dim3A_12, %scan3A_387 = %broadcast_in_dim3A_14, %scan3A_388 = %broadcast_in_dim3A_12, %scan3A_389 = %broadcast_in_dim3A_14, %scan3A_390 = %broadcast_in_dim3A_12, %scan3A_391 = %broadcast_in_dim3A_14) -> (vector<128x128xf32>, vector<128x128xi32>, vector<128x128xf32>, vector<128x128xi32>, vector<128x128xf32>, vector<128x128xi32>)  : i32 {
      %mul3A_392 = arith.constant 512 : i32
      %mul3A_393 = arith.muli %scan3A_385, %mul3A_392 : i32
      %get3A_394 = arith.constant 0 : index
      %get3A_395 = arith.index_cast %mul3A_393 : i32 to index
      %get3A_396 = vector.load %arg1[%get3A_394, %get3A_395] : memref<3x10240xf32, #tpu.memory_space<vmem>>, vector<3x512xf32>
      %mul3A_397 = arith.mulf %get3A_396, %get3A_396 : vector<3x512xf32>
      %reduce_sum3A_398 = arith.constant dense<0.000000e+00> : vector<512xf32>
      %reduce_sum3A_399 = vector.multi_reduction <add>, %mul3A_397, %reduce_sum3A_398 [0] : vector<3x512xf32> to vector<512xf32>
      %broadcast_in_dim3A_400 = vector.shape_cast %reduce_sum3A_399 : vector<512xf32> to vector<1x512xf32>
      %convert_element_type3A_401 = arith.truncf %get3A_396 : vector<3x512xf32> to vector<3x512xbf16>
      %dot_general3A = arith.constant dense<0.000000e+00> : vector<128x512xf32>
      %dot_general3A_402 = tpu.matmul %convert_element_type3A, %convert_element_type3A_401, %dot_general3A {dimension_numbers = #tpu.dot_dimension_numbers<[0], [0], [1], [1], [0, 1, 1, 1], [], []>, transpose_lhs_hint = false} : vector<3x128xbf16>, vector<3x512xbf16>, vector<128x512xf32> -> vector<128x512xf32>
      %add3A_403 = vector.broadcast %broadcast_in_dim3A : vector<128x1xf32> to vector<128x512xf32>
      %add3A_404 = vector.broadcast %broadcast_in_dim3A_400 : vector<1x512xf32> to vector<128x512xf32>
      %add3A_405 = arith.addf %add3A_403, %add3A_404 : vector<128x512xf32>
      %mul3A_406 = arith.constant 2.000000e+00 : f32
      %mul3A_407 = vector.broadcast %mul3A_406 : f32 to vector<128x512xf32>
      %mul3A_408 = arith.mulf %mul3A_407, %dot_general3A_402 : vector<128x512xf32>
      %sub3A = arith.subf %add3A_405, %mul3A_408 : vector<128x512xf32>
      %max3A_409 = arith.constant 0.000000e+00 : f32
      %max3A_410 = vector.broadcast %max3A_409 : f32 to vector<128x512xf32>
      %max3A_411 = arith.maximumf %sub3A, %max3A_410 : vector<128x512xf32>
      %mul3A_412 = arith.constant 512 : i32
      %mul3A_413 = arith.muli %scan3A_385, %mul3A_412 : i32
      %iota3A_414 = tpu.iota {dimensions = array<i32: 1>} : vector<128x512xi32>
      %add3A_415 = vector.broadcast %mul3A_413 : i32 to vector<128x512xi32>
      %add3A_416 = arith.addi %add3A_415, %iota3A_414 : vector<128x512xi32>
      %eq3A_417 = arith.cmpi eq, %add3A_416, %add3A_10 : vector<128x512xi32>
      %ge3A = arith.constant 10000 : i32
      %ge3A_418 = vector.broadcast %ge3A : i32 to vector<128x512xi32>
      %ge3A_419 = arith.cmpi sge, %add3A_416, %ge3A_418 : vector<128x512xi32>
      %or3A_420 = arith.ori %eq3A_417, %ge3A_419 : vector<128x512xi1>
      %jit3A_421 = arith.constant 0x7F800000 : f32
      %broadcast_in_dim3A_422 = vector.broadcast %jit3A_421 : f32 to vector<128x512xf32>
      %select_n3A_423 = arith.select %or3A_420, %broadcast_in_dim3A_422, %max3A_411 : vector<128x512xi1>, vector<128x512xf32>
      %mul3A_424 = arith.constant 512 : i32
      %mul3A_425 = arith.muli %scan3A_385, %mul3A_424 : i32
      %swap3A_426 = arith.constant 0 : index
      %swap3A_427 = arith.index_cast %mul3A_425 : i32 to index
      %swap3A_428 = vector.load %arg4[%swap3A_426, %swap3A_427] : memref<128x10240xf32, #tpu.memory_space<vmem>>, vector<128x512xf32>
      tpu.vector_store %arg4[%swap3A_426, %swap3A_427], %select_n3A_423 {strides = array<i32>} : memref<128x10240xf32, #tpu.memory_space<vmem>>, vector<128x512xf32>,
      %mul3A_429 = arith.constant 4 : i32
      %mul3A_430 = arith.muli %scan3A_385, %mul3A_429 : i32
      %add3A_431 = arith.constant 0 : i32
      %add3A_432 = arith.addi %mul3A_430, %add3A_431 : i32
      %slice3A_433 = vector.extract_strided_slice %select_n3A_423 {offsets = [0, 0], sizes = [128, 128], strides = [1, 1]} : vector<128x512xf32> to vector<128x128xf32>
      %lt3A_434 = arith.cmpf olt, %slice3A_433, %scan3A_386 : vector<128x128xf32>
      %lt3A_435 = arith.cmpf olt, %slice3A_433, %scan3A_388 : vector<128x128xf32>
      %lt3A_436 = arith.cmpf olt, %slice3A_433, %scan3A_390 : vector<128x128xf32>
      %select_n3A_437 = arith.select %lt3A_436, %slice3A_433, %scan3A_390 : vector<128x128xi1>, vector<128x128xf32>
      %select_n3A_438 = arith.select %lt3A_435, %scan3A_388, %select_n3A_437 : vector<128x128xi1>, vector<128x128xf32>
      %broadcast_in_dim3A_439 = vector.broadcast %add3A_432 : i32 to vector<128x128xi32>
      %select_n3A_440 = arith.select %lt3A_436, %broadcast_in_dim3A_439, %scan3A_391 : vector<128x128xi1>, vector<128x128xi32>
      %select_n3A_441 = arith.select %lt3A_435, %scan3A_389, %select_n3A_440 : vector<128x128xi1>, vector<128x128xi32>
      %select_n3A_442 = arith.select %lt3A_435, %slice3A_433, %scan3A_388 : vector<128x128xi1>, vector<128x128xf32>
      %select_n3A_443 = arith.select %lt3A_434, %scan3A_386, %select_n3A_442 : vector<128x128xi1>, vector<128x128xf32>
      %broadcast_in_dim3A_444 = vector.broadcast %add3A_432 : i32 to vector<128x128xi32>
      %select_n3A_445 = arith.select %lt3A_435, %broadcast_in_dim3A_444, %scan3A_389 : vector<128x128xi1>, vector<128x128xi32>
      %select_n3A_446 = arith.select %lt3A_434, %scan3A_387, %select_n3A_445 : vector<128x128xi1>, vector<128x128xi32>
      %select_n3A_447 = arith.select %lt3A_434, %slice3A_433, %scan3A_386 : vector<128x128xi1>, vector<128x128xf32>
      %broadcast_in_dim3A_448 = vector.broadcast %add3A_432 : i32 to vector<128x128xi32>
      %select_n3A_449 = arith.select %lt3A_434, %broadcast_in_dim3A_448, %scan3A_387 : vector<128x128xi1>, vector<128x128xi32>
      %mul3A_450 = arith.constant 4 : i32
      %mul3A_451 = arith.muli %scan3A_385, %mul3A_450 : i32
      %add3A_452 = arith.constant 1 : i32
      %add3A_453 = arith.addi %mul3A_451, %add3A_452 : i32
      %slice3A_454 = vector.extract_strided_slice %select_n3A_423 {offsets = [0, 128], sizes = [128, 128], strides = [1, 1]} : vector<128x512xf32> to vector<128x128xf32>
      %lt3A_455 = arith.cmpf olt, %slice3A_454, %select_n3A_447 : vector<128x128xf32>
      %lt3A_456 = arith.cmpf olt, %slice3A_454, %select_n3A_443 : vector<128x128xf32>
      %lt3A_457 = arith.cmpf olt, %slice3A_454, %select_n3A_438 : vector<128x128xf32>
      %select_n3A_458 = arith.select %lt3A_457, %slice3A_454, %select_n3A_438 : vector<128x128xi1>, vector<128x128xf32>
      %select_n3A_459 = arith.select %lt3A_456, %select_n3A_443, %select_n3A_458 : vector<128x128xi1>, vector<128x128xf32>
      %broadcast_in_dim3A_460 = vector.broadcast %add3A_453 : i32 to vector<128x128xi32>
      %select_n3A_461 = arith.select %lt3A_457, %broadcast_in_dim3A_460, %select_n3A_441 : vector<128x128xi1>, vector<128x128xi32>
      %select_n3A_462 = arith.select %lt3A_456, %select_n3A_446, %select_n3A_461 : vector<128x128xi1>, vector<128x128xi32>
      %select_n3A_463 = arith.select %lt3A_456, %slice3A_454, %select_n3A_443 : vector<128x128xi1>, vector<128x128xf32>
      %select_n3A_464 = arith.select %lt3A_455, %select_n3A_447, %select_n3A_463 : vector<128x128xi1>, vector<128x128xf32>
      %broadcast_in_dim3A_465 = vector.broadcast %add3A_453 : i32 to vector<128x128xi32>
      %select_n3A_466 = arith.select %lt3A_456, %broadcast_in_dim3A_465, %select_n3A_446 : vector<128x128xi1>, vector<128x128xi32>
      %select_n3A_467 = arith.select %lt3A_455, %select_n3A_449, %select_n3A_466 : vector<128x128xi1>, vector<128x128xi32>
      %select_n3A_468 = arith.select %lt3A_455, %slice3A_454, %select_n3A_447 : vector<128x128xi1>, vector<128x128xf32>
      %broadcast_in_dim3A_469 = vector.broadcast %add3A_453 : i32 to vector<128x128xi32>
      %select_n3A_470 = arith.select %lt3A_455, %broadcast_in_dim3A_469, %select_n3A_449 : vector<128x128xi1>, vector<128x128xi32>
      %mul3A_471 = arith.constant 4 : i32
      %mul3A_472 = arith.muli %scan3A_385, %mul3A_471 : i32
      %add3A_473 = arith.constant 2 : i32
      %add3A_474 = arith.addi %mul3A_472, %add3A_473 : i32
      %slice3A_475 = vector.extract_strided_slice %select_n3A_423 {offsets = [0, 256], sizes = [128, 128], strides = [1, 1]} : vector<128x512xf32> to vector<128x128xf32>
      %lt3A_476 = arith.cmpf olt, %slice3A_475, %select_n3A_468 : vector<128x128xf32>
      %lt3A_477 = arith.cmpf olt, %slice3A_475, %select_n3A_464 : vector<128x128xf32>
      %lt3A_478 = arith.cmpf olt, %slice3A_475, %select_n3A_459 : vector<128x128xf32>
      %select_n3A_479 = arith.select %lt3A_478, %slice3A_475, %select_n3A_459 : vector<128x128xi1>, vector<128x128xf32>
      %select_n3A_480 = arith.select %lt3A_477, %select_n3A_464, %select_n3A_479 : vector<128x128xi1>, vector<128x128xf32>
      %broadcast_in_dim3A_481 = vector.broadcast %add3A_474 : i32 to vector<128x128xi32>
      %select_n3A_482 = arith.select %lt3A_478, %broadcast_in_dim3A_481, %select_n3A_462 : vector<128x128xi1>, vector<128x128xi32>
      %select_n3A_483 = arith.select %lt3A_477, %select_n3A_467, %select_n3A_482 : vector<128x128xi1>, vector<128x128xi32>
      %select_n3A_484 = arith.select %lt3A_477, %slice3A_475, %select_n3A_464 : vector<128x128xi1>, vector<128x128xf32>
      %select_n3A_485 = arith.select %lt3A_476, %select_n3A_468, %select_n3A_484 : vector<128x128xi1>, vector<128x128xf32>
      %broadcast_in_dim3A_486 = vector.broadcast %add3A_474 : i32 to vector<128x128xi32>
      %select_n3A_487 = arith.select %lt3A_477, %broadcast_in_dim3A_486, %select_n3A_467 : vector<128x128xi1>, vector<128x128xi32>
      %select_n3A_488 = arith.select %lt3A_476, %select_n3A_470, %select_n3A_487 : vector<128x128xi1>, vector<128x128xi32>
      %select_n3A_489 = arith.select %lt3A_476, %slice3A_475, %select_n3A_468 : vector<128x128xi1>, vector<128x128xf32>
      %broadcast_in_dim3A_490 = vector.broadcast %add3A_474 : i32 to vector<128x128xi32>
      %select_n3A_491 = arith.select %lt3A_476, %broadcast_in_dim3A_490, %select_n3A_470 : vector<128x128xi1>, vector<128x128xi32>
      %mul3A_492 = arith.constant 4 : i32
      %mul3A_493 = arith.muli %scan3A_385, %mul3A_492 : i32
      %add3A_494 = arith.constant 3 : i32
      %add3A_495 = arith.addi %mul3A_493, %add3A_494 : i32
      %slice3A_496 = vector.extract_strided_slice %select_n3A_423 {offsets = [0, 384], sizes = [128, 128], strides = [1, 1]} : vector<128x512xf32> to vector<128x128xf32>
      %lt3A_497 = arith.cmpf olt, %slice3A_496, %select_n3A_489 : vector<128x128xf32>
      %lt3A_498 = arith.cmpf olt, %slice3A_496, %select_n3A_485 : vector<128x128xf32>
      %lt3A_499 = arith.cmpf olt, %slice3A_496, %select_n3A_480 : vector<128x128xf32>
      %select_n3A_500 = arith.select %lt3A_499, %slice3A_496, %select_n3A_480 : vector<128x128xi1>, vector<128x128xf32>
      %select_n3A_501 = arith.select %lt3A_498, %select_n3A_485, %select_n3A_500 : vector<128x128xi1>, vector<128x128xf32>
      %broadcast_in_dim3A_502 = vector.broadcast %add3A_495 : i32 to vector<128x128xi32>
      %select_n3A_503 = arith.select %lt3A_499, %broadcast_in_dim3A_502, %select_n3A_483 : vector<128x128xi1>, vector<128x128xi32>
      %select_n3A_504 = arith.select %lt3A_498, %select_n3A_488, %select_n3A_503 : vector<128x128xi1>, vector<128x128xi32>
      %select_n3A_505 = arith.select %lt3A_498, %slice3A_496, %select_n3A_485 : vector<128x128xi1>, vector<128x128xf32>
      %select_n3A_506 = arith.select %lt3A_497, %select_n3A_489, %select_n3A_505 : vector<128x128xi1>, vector<128x128xf32>
      %broadcast_in_dim3A_507 = vector.broadcast %add3A_495 : i32 to vector<128x128xi32>
      %select_n3A_508 = arith.select %lt3A_498, %broadcast_in_dim3A_507, %select_n3A_488 : vector<128x128xi1>, vector<128x128xi32>
      %select_n3A_509 = arith.select %lt3A_497, %select_n3A_491, %select_n3A_508 : vector<128x128xi1>, vector<128x128xi32>
      %select_n3A_510 = arith.select %lt3A_497, %slice3A_496, %select_n3A_489 : vector<128x128xi1>, vector<128x128xf32>
      %broadcast_in_dim3A_511 = vector.broadcast %add3A_495 : i32 to vector<128x128xi32>
      %select_n3A_512 = arith.select %lt3A_497, %broadcast_in_dim3A_511, %select_n3A_491 : vector<128x128xi1>, vector<128x128xi32>
      scf.yield %select_n3A_510, %select_n3A_512, %select_n3A_506, %select_n3A_509, %select_n3A_501, %select_n3A_504 : vector<128x128xf32>, vector<128x128xi32>, vector<128x128xf32>, vector<128x128xi32>, vector<128x128xf32>, vector<128x128xi32>
    }
    %scan3A_19 = arith.constant 20 : i32
    %broadcast_in_dim3A_20 = arith.constant 0x7F800000 : f32
    %broadcast_in_dim3A_21 = vector.broadcast %broadcast_in_dim3A_20 : f32 to vector<128x16xf32>
    %broadcast_in_dim3A_22 = arith.constant 1.07374182E+9 : f32
    %broadcast_in_dim3A_23 = vector.broadcast %broadcast_in_dim3A_22 : f32 to vector<128x16xf32>
    %concatenate3A = tpu.concatenate %scan3A_18#0, %scan3A_18#2, %scan3A_18#4 in 1 : vector<128x128xf32>, vector<128x128xf32>, vector<128x128xf32> -> vector<128x384xf32>
    %concatenate3A_24 = tpu.concatenate %scan3A_18#1, %scan3A_18#3, %scan3A_18#5 in 1 : vector<128x128xi32>, vector<128x128xi32>, vector<128x128xi32> -> vector<128x384xi32>
    %iota3A_25 = tpu.iota {dimensions = array<i32: 1>} : vector<128x384xi32>
    %jit3A = arith.constant 128 : i32
    %eq3A = arith.constant 0 : i32
    %eq3A_26 = arith.cmpi eq, %jit3A, %eq3A : i32
    %jit3A_27 = arith.constant 1 : i32
    %select_n3A = arith.select %eq3A_26, %jit3A_27, %jit3A : i32
    %rem3A = vector.broadcast %select_n3A : i32 to vector<128x384xi32>
    %rem3A_28 = arith.remsi %iota3A_25, %rem3A : vector<128x384xi32>
    %ne3A = arith.constant 0 : i32
    %ne3A_29 = vector.broadcast %ne3A : i32 to vector<128x384xi32>
    %ne3A_30 = arith.cmpi ne, %rem3A_28, %ne3A_29 : vector<128x384xi32>
    %lt3A = arith.constant 0 : i32
    %lt3A_31 = vector.broadcast %lt3A : i32 to vector<128x384xi32>
    %lt3A_32 = arith.cmpi slt, %rem3A_28, %lt3A_31 : vector<128x384xi32>
    %lt3A_33 = arith.constant 0 : i32
    %lt3A_34 = arith.cmpi slt, %select_n3A, %lt3A_33 : i32
    %ne3A_35 = vector.broadcast %lt3A_34 : i1 to vector<128x384xi1>
    %ne3A_36 = vector.broadcast %ne3A_35 : vector<128x384xi1> to vector<128x384xi1>
    %ne3A_37 = arith.xori %lt3A_32, %ne3A_36 : vector<128x384xi1>
    %and3A = arith.andi %ne3A_37, %ne3A_30 : vector<128x384xi1>
    %add3A_38 = vector.broadcast %select_n3A : i32 to vector<128x384xi32>
    %add3A_39 = arith.addi %rem3A_28, %add3A_38 : vector<128x384xi32>
    %select_n3A_40 = arith.select %and3A, %add3A_39, %rem3A_28 : vector<128x384xi1>, vector<128x384xi32>
    %mul3A_41 = arith.constant 128 : i32
    %mul3A_42 = vector.broadcast %mul3A_41 : i32 to vector<128x384xi32>
    %mul3A_43 = arith.muli %concatenate3A_24, %mul3A_42 : vector<128x384xi32>
    %add3A_44 = arith.addi %mul3A_43, %select_n3A_40 : vector<128x384xi32>
    %convert_element_type3A_45 = arith.sitofp %add3A_44 : vector<128x384xi32> to vector<128x384xf32>
    %concatenate3A_46 = tpu.concatenate %broadcast_in_dim3A_21, %concatenate3A in 1 : vector<128x16xf32>, vector<128x384xf32> -> vector<128x400xf32>
    %concatenate3A_47 = tpu.concatenate %broadcast_in_dim3A_23, %convert_element_type3A_45 in 1 : vector<128x16xf32>, vector<128x384xf32> -> vector<128x400xf32>
    %broadcast_in_dim3A_48 = arith.constant false
    %broadcast_in_dim3A_49 = vector.broadcast %broadcast_in_dim3A_48 : i1 to vector<128x384xi1>
    %reduce_min3A = arith.constant dense<0x7F800000> : vector<128xf32>
    %reduce_min3A_50 = vector.multi_reduction <minimumf>, %concatenate3A_46, %reduce_min3A [1] : vector<128x400xf32> to vector<128xf32>
    %broadcast_in_dim3A_51 = vector.shape_cast %reduce_min3A_50 : vector<128xf32> to vector<128x1xf32>
    %eq3A_52 = vector.broadcast %broadcast_in_dim3A_51 : vector<128x1xf32> to vector<128x400xf32>
    %eq3A_53 = arith.cmpf oeq, %concatenate3A_46, %eq3A_52 : vector<128x400xf32>
    %jit3A_54 = arith.constant 1.07374182E+9 : f32
    %broadcast_in_dim3A_55 = vector.broadcast %jit3A_54 : f32 to vector<128x400xf32>
    %select_n3A_56 = arith.select %eq3A_53, %concatenate3A_47, %broadcast_in_dim3A_55 : vector<128x400xi1>, vector<128x400xf32>
    %reduce_min3A_57 = arith.constant dense<0x7F800000> : vector<128xf32>
    %reduce_min3A_58 = vector.multi_reduction <minimumf>, %select_n3A_56, %reduce_min3A_57 [1] : vector<128x400xf32> to vector<128xf32>
    %broadcast_in_dim3A_59 = vector.shape_cast %reduce_min3A_58 : vector<128xf32> to vector<128x1xf32>
    %eq3A_60 = vector.broadcast %broadcast_in_dim3A_59 : vector<128x1xf32> to vector<128x400xf32>
    %eq3A_61 = arith.cmpf oeq, %concatenate3A_47, %eq3A_60 : vector<128x400xf32>
    %and3A_62 = arith.andi %eq3A_53, %eq3A_61 : vector<128x400xi1>
    %jit3A_63 = arith.constant 0x7F800000 : f32
    %broadcast_in_dim3A_64 = vector.broadcast %jit3A_63 : f32 to vector<128x400xf32>
    %select_n3A_65 = arith.select %and3A_62, %broadcast_in_dim3A_64, %concatenate3A_46 : vector<128x400xi1>, vector<128x400xf32>
    %slice3A = vector.extract_strided_slice %and3A_62 {offsets = [0, 16], sizes = [128, 384], strides = [1, 1]} : vector<128x400xi1> to vector<128x384xi1>
    %or3A = arith.ori %broadcast_in_dim3A_49, %slice3A : vector<128x384xi1>
    %reduce_min3A_66 = arith.constant dense<0x7F800000> : vector<128xf32>
    %reduce_min3A_67 = vector.multi_reduction <minimumf>, %select_n3A_65, %reduce_min3A_66 [1] : vector<128x400xf32> to vector<128xf32>
    %broadcast_in_dim3A_68 = vector.shape_cast %reduce_min3A_67 : vector<128xf32> to vector<128x1xf32>
    %eq3A_69 = vector.broadcast %broadcast_in_dim3A_68 : vector<128x1xf32> to vector<128x400xf32>
    %eq3A_70 = arith.cmpf oeq, %select_n3A_65, %eq3A_69 : vector<128x400xf32>
    %jit3A_71 = arith.constant 1.07374182E+9 : f32
    %broadcast_in_dim3A_72 = vector.broadcast %jit3A_71 : f32 to vector<128x400xf32>
    %select_n3A_73 = arith.select %eq3A_70, %concatenate3A_47, %broadcast_in_dim3A_72 : vector<128x400xi1>, vector<128x400xf32>
    %reduce_min3A_74 = arith.constant dense<0x7F800000> : vector<128xf32>
    %reduce_min3A_75 = vector.multi_reduction <minimumf>, %select_n3A_73, %reduce_min3A_74 [1] : vector<128x400xf32> to vector<128xf32>
    %broadcast_in_dim3A_76 = vector.shape_cast %reduce_min3A_75 : vector<128xf32> to vector<128x1xf32>
    %eq3A_77 = vector.broadcast %broadcast_in_dim3A_76 : vector<128x1xf32> to vector<128x400xf32>
    %eq3A_78 = arith.cmpf oeq, %concatenate3A_47, %eq3A_77 : vector<128x400xf32>
    %and3A_79 = arith.andi %eq3A_70, %eq3A_78 : vector<128x400xi1>
    %jit3A_80 = arith.constant 0x7F800000 : f32
    %broadcast_in_dim3A_81 = vector.broadcast %jit3A_80 : f32 to vector<128x400xf32>
    %select_n3A_82 = arith.select %and3A_79, %broadcast_in_dim3A_81, %select_n3A_65 : vector<128x400xi1>, vector<128x400xf32>
    %slice3A_83 = vector.extract_strided_slice %and3A_79 {offsets = [0, 16], sizes = [128, 384], strides = [1, 1]} : vector<128x400xi1> to vector<128x384xi1>
    %or3A_84 = arith.ori %or3A, %slice3A_83 : vector<128x384xi1>
    %reduce_min3A_85 = arith.constant dense<0x7F800000> : vector<128xf32>
    %reduce_min3A_86 = vector.multi_reduction <minimumf>, %select_n3A_82, %reduce_min3A_85 [1] : vector<128x400xf32> to vector<128xf32>
    %broadcast_in_dim3A_87 = vector.shape_cast %reduce_min3A_86 : vector<128xf32> to vector<128x1xf32>
    %eq3A_88 = vector.broadcast %broadcast_in_dim3A_87 : vector<128x1xf32> to vector<128x400xf32>
    %eq3A_89 = arith.cmpf oeq, %select_n3A_82, %eq3A_88 : vector<128x400xf32>
    %jit3A_90 = arith.constant 1.07374182E+9 : f32
    %broadcast_in_dim3A_91 = vector.broadcast %jit3A_90 : f32 to vector<128x400xf32>
    %select_n3A_92 = arith.select %eq3A_89, %concatenate3A_47, %broadcast_in_dim3A_91 : vector<128x400xi1>, vector<128x400xf32>
    %reduce_min3A_93 = arith.constant dense<0x7F800000> : vector<128xf32>
    %reduce_min3A_94 = vector.multi_reduction <minimumf>, %select_n3A_92, %reduce_min3A_93 [1] : vector<128x400xf32> to vector<128xf32>
    %broadcast_in_dim3A_95 = vector.shape_cast %reduce_min3A_94 : vector<128xf32> to vector<128x1xf32>
    %eq3A_96 = vector.broadcast %broadcast_in_dim3A_95 : vector<128x1xf32> to vector<128x400xf32>
    %eq3A_97 = arith.cmpf oeq, %concatenate3A_47, %eq3A_96 : vector<128x400xf32>
    %and3A_98 = arith.andi %eq3A_89, %eq3A_97 : vector<128x400xi1>
    %jit3A_99 = arith.constant 0x7F800000 : f32
    %broadcast_in_dim3A_100 = vector.broadcast %jit3A_99 : f32 to vector<128x400xf32>
    %select_n3A_101 = arith.select %and3A_98, %broadcast_in_dim3A_100, %select_n3A_82 : vector<128x400xi1>, vector<128x400xf32>
    %slice3A_102 = vector.extract_strided_slice %and3A_98 {offsets = [0, 16], sizes = [128, 384], strides = [1, 1]} : vector<128x400xi1> to vector<128x384xi1>
    %or3A_103 = arith.ori %or3A_84, %slice3A_102 : vector<128x384xi1>
    %reduce_min3A_104 = arith.constant dense<0x7F800000> : vector<128xf32>
    %reduce_min3A_105 = vector.multi_reduction <minimumf>, %select_n3A_101, %reduce_min3A_104 [1] : vector<128x400xf32> to vector<128xf32>
    %broadcast_in_dim3A_106 = vector.shape_cast %reduce_min3A_105 : vector<128xf32> to vector<128x1xf32>
    %eq3A_107 = vector.broadcast %broadcast_in_dim3A_106 : vector<128x1xf32> to vector<128x400xf32>
    %eq3A_108 = arith.cmpf oeq, %select_n3A_101, %eq3A_107 : vector<128x400xf32>
    %jit3A_109 = arith.constant 1.07374182E+9 : f32
    %broadcast_in_dim3A_110 = vector.broadcast %jit3A_109 : f32 to vector<128x400xf32>
    %select_n3A_111 = arith.select %eq3A_108, %concatenate3A_47, %broadcast_in_dim3A_110 : vector<128x400xi1>, vector<128x400xf32>
    %reduce_min3A_112 = arith.constant dense<0x7F800000> : vector<128xf32>
    %reduce_min3A_113 = vector.multi_reduction <minimumf>, %select_n3A_111, %reduce_min3A_112 [1] : vector<128x400xf32> to vector<128xf32>
    %broadcast_in_dim3A_114 = vector.shape_cast %reduce_min3A_113 : vector<128xf32> to vector<128x1xf32>
    %eq3A_115 = vector.broadcast %broadcast_in_dim3A_114 : vector<128x1xf32> to vector<128x400xf32>
    %eq3A_116 = arith.cmpf oeq, %concatenate3A_47, %eq3A_115 : vector<128x400xf32>
    %and3A_117 = arith.andi %eq3A_108, %eq3A_116 : vector<128x400xi1>
    %jit3A_118 = arith.constant 0x7F800000 : f32
    %broadcast_in_dim3A_119 = vector.broadcast %jit3A_118 : f32 to vector<128x400xf32>
    %select_n3A_120 = arith.select %and3A_117, %broadcast_in_dim3A_119, %select_n3A_101 : vector<128x400xi1>, vector<128x400xf32>
    %slice3A_121 = vector.extract_strided_slice %and3A_117 {offsets = [0, 16], sizes = [128, 384], strides = [1, 1]} : vector<128x400xi1> to vector<128x384xi1>
    %or3A_122 = arith.ori %or3A_103, %slice3A_121 : vector<128x384xi1>
    %reduce_min3A_123 = arith.constant dense<0x7F800000> : vector<128xf32>
    %reduce_min3A_124 = vector.multi_reduction <minimumf>, %select_n3A_120, %reduce_min3A_123 [1] : vector<128x400xf32> to vector<128xf32>
    %broadcast_in_dim3A_125 = vector.shape_cast %reduce_min3A_124 : vector<128xf32> to vector<128x1xf32>
    %eq3A_126 = vector.broadcast %broadcast_in_dim3A_125 : vector<128x1xf32> to vector<128x400xf32>
    %eq3A_127 = arith.cmpf oeq, %select_n3A_120, %eq3A_126 : vector<128x400xf32>
    %jit3A_128 = arith.constant 1.07374182E+9 : f32
    %broadcast_in_dim3A_129 = vector.broadcast %jit3A_128 : f32 to vector<128x400xf32>
    %select_n3A_130 = arith.select %eq3A_127, %concatenate3A_47, %broadcast_in_dim3A_129 : vector<128x400xi1>, vector<128x400xf32>
    %reduce_min3A_131 = arith.constant dense<0x7F800000> : vector<128xf32>
    %reduce_min3A_132 = vector.multi_reduction <minimumf>, %select_n3A_130, %reduce_min3A_131 [1] : vector<128x400xf32> to vector<128xf32>
    %broadcast_in_dim3A_133 = vector.shape_cast %reduce_min3A_132 : vector<128xf32> to vector<128x1xf32>
    %eq3A_134 = vector.broadcast %broadcast_in_dim3A_133 : vector<128x1xf32> to vector<128x400xf32>
    %eq3A_135 = arith.cmpf oeq, %concatenate3A_47, %eq3A_134 : vector<128x400xf32>
    %and3A_136 = arith.andi %eq3A_127, %eq3A_135 : vector<128x400xi1>
    %jit3A_137 = arith.constant 0x7F800000 : f32
    %broadcast_in_dim3A_138 = vector.broadcast %jit3A_137 : f32 to vector<128x400xf32>
    %select_n3A_139 = arith.select %and3A_136, %broadcast_in_dim3A_138, %select_n3A_120 : vector<128x400xi1>, vector<128x400xf32>
    %slice3A_140 = vector.extract_strided_slice %and3A_136 {offsets = [0, 16], sizes = [128, 384], strides = [1, 1]} : vector<128x400xi1> to vector<128x384xi1>
    %or3A_141 = arith.ori %or3A_122, %slice3A_140 : vector<128x384xi1>
    %reduce_min3A_142 = arith.constant dense<0x7F800000> : vector<128xf32>
    %reduce_min3A_143 = vector.multi_reduction <minimumf>, %select_n3A_139, %reduce_min3A_142 [1] : vector<128x400xf32> to vector<128xf32>
    %broadcast_in_dim3A_144 = vector.shape_cast %reduce_min3A_143 : vector<128xf32> to vector<128x1xf32>
    %eq3A_145 = vector.broadcast %broadcast_in_dim3A_144 : vector<128x1xf32> to vector<128x400xf32>
    %eq3A_146 = arith.cmpf oeq, %select_n3A_139, %eq3A_145 : vector<128x400xf32>
    %jit3A_147 = arith.constant 1.07374182E+9 : f32
    %broadcast_in_dim3A_148 = vector.broadcast %jit3A_147 : f32 to vector<128x400xf32>
    %select_n3A_149 = arith.select %eq3A_146, %concatenate3A_47, %broadcast_in_dim3A_148 : vector<128x400xi1>, vector<128x400xf32>
    %reduce_min3A_150 = arith.constant dense<0x7F800000> : vector<128xf32>
    %reduce_min3A_151 = vector.multi_reduction <minimumf>, %select_n3A_149, %reduce_min3A_150 [1] : vector<128x400xf32> to vector<128xf32>
    %broadcast_in_dim3A_152 = vector.shape_cast %reduce_min3A_151 : vector<128xf32> to vector<128x1xf32>
    %eq3A_153 = vector.broadcast %broadcast_in_dim3A_152 : vector<128x1xf32> to vector<128x400xf32>
    %eq3A_154 = arith.cmpf oeq, %concatenate3A_47, %eq3A_153 : vector<128x400xf32>
    %and3A_155 = arith.andi %eq3A_146, %eq3A_154 : vector<128x400xi1>
    %jit3A_156 = arith.constant 0x7F800000 : f32
    %broadcast_in_dim3A_157 = vector.broadcast %jit3A_156 : f32 to vector<128x400xf32>
    %select_n3A_158 = arith.select %and3A_155, %broadcast_in_dim3A_157, %select_n3A_139 : vector<128x400xi1>, vector<128x400xf32>
    %slice3A_159 = vector.extract_strided_slice %and3A_155 {offsets = [0, 16], sizes = [128, 384], strides = [1, 1]} : vector<128x400xi1> to vector<128x384xi1>
    %or3A_160 = arith.ori %or3A_141, %slice3A_159 : vector<128x384xi1>
    %reduce_min3A_161 = arith.constant dense<0x7F800000> : vector<128xf32>
    %reduce_min3A_162 = vector.multi_reduction <minimumf>, %select_n3A_158, %reduce_min3A_161 [1] : vector<128x400xf32> to vector<128xf32>
    %broadcast_in_dim3A_163 = vector.shape_cast %reduce_min3A_162 : vector<128xf32> to vector<128x1xf32>
    %eq3A_164 = vector.broadcast %broadcast_in_dim3A_163 : vector<128x1xf32> to vector<128x400xf32>
    %eq3A_165 = arith.cmpf oeq, %select_n3A_158, %eq3A_164 : vector<128x400xf32>
    %jit3A_166 = arith.constant 1.07374182E+9 : f32
    %broadcast_in_dim3A_167 = vector.broadcast %jit3A_166 : f32 to vector<128x400xf32>
    %select_n3A_168 = arith.select %eq3A_165, %concatenate3A_47, %broadcast_in_dim3A_167 : vector<128x400xi1>, vector<128x400xf32>
    %reduce_min3A_169 = arith.constant dense<0x7F800000> : vector<128xf32>
    %reduce_min3A_170 = vector.multi_reduction <minimumf>, %select_n3A_168, %reduce_min3A_169 [1] : vector<128x400xf32> to vector<128xf32>
    %broadcast_in_dim3A_171 = vector.shape_cast %reduce_min3A_170 : vector<128xf32> to vector<128x1xf32>
    %eq3A_172 = vector.broadcast %broadcast_in_dim3A_171 : vector<128x1xf32> to vector<128x400xf32>
    %eq3A_173 = arith.cmpf oeq, %concatenate3A_47, %eq3A_172 : vector<128x400xf32>
    %and3A_174 = arith.andi %eq3A_165, %eq3A_173 : vector<128x400xi1>
    %jit3A_175 = arith.constant 0x7F800000 : f32
    %broadcast_in_dim3A_176 = vector.broadcast %jit3A_175 : f32 to vector<128x400xf32>
    %select_n3A_177 = arith.select %and3A_174, %broadcast_in_dim3A_176, %select_n3A_158 : vector<128x400xi1>, vector<128x400xf32>
    %slice3A_178 = vector.extract_strided_slice %and3A_174 {offsets = [0, 16], sizes = [128, 384], strides = [1, 1]} : vector<128x400xi1> to vector<128x384xi1>
    %or3A_179 = arith.ori %or3A_160, %slice3A_178 : vector<128x384xi1>
    %reduce_min3A_180 = arith.constant dense<0x7F800000> : vector<128xf32>
    %reduce_min3A_181 = vector.multi_reduction <minimumf>, %select_n3A_177, %reduce_min3A_180 [1] : vector<128x400xf32> to vector<128xf32>
    %broadcast_in_dim3A_182 = vector.shape_cast %reduce_min3A_181 : vector<128xf32> to vector<128x1xf32>
    %eq3A_183 = vector.broadcast %broadcast_in_dim3A_182 : vector<128x1xf32> to vector<128x400xf32>
    %eq3A_184 = arith.cmpf oeq, %select_n3A_177, %eq3A_183 : vector<128x400xf32>
    %jit3A_185 = arith.constant 1.07374182E+9 : f32
    %broadcast_in_dim3A_186 = vector.broadcast %jit3A_185 : f32 to vector<128x400xf32>
    %select_n3A_187 = arith.select %eq3A_184, %concatenate3A_47, %broadcast_in_dim3A_186 : vector<128x400xi1>, vector<128x400xf32>
    %reduce_min3A_188 = arith.constant dense<0x7F800000> : vector<128xf32>
    %reduce_min3A_189 = vector.multi_reduction <minimumf>, %select_n3A_187, %reduce_min3A_188 [1] : vector<128x400xf32> to vector<128xf32>
    %broadcast_in_dim3A_190 = vector.shape_cast %reduce_min3A_189 : vector<128xf32> to vector<128x1xf32>
    %eq3A_191 = vector.broadcast %broadcast_in_dim3A_190 : vector<128x1xf32> to vector<128x400xf32>
    %eq3A_192 = arith.cmpf oeq, %concatenate3A_47, %eq3A_191 : vector<128x400xf32>
    %and3A_193 = arith.andi %eq3A_184, %eq3A_192 : vector<128x400xi1>
    %jit3A_194 = arith.constant 0x7F800000 : f32
    %broadcast_in_dim3A_195 = vector.broadcast %jit3A_194 : f32 to vector<128x400xf32>
    %select_n3A_196 = arith.select %and3A_193, %broadcast_in_dim3A_195, %select_n3A_177 : vector<128x400xi1>, vector<128x400xf32>
    %slice3A_197 = vector.extract_strided_slice %and3A_193 {offsets = [0, 16], sizes = [128, 384], strides = [1, 1]} : vector<128x400xi1> to vector<128x384xi1>
    %or3A_198 = arith.ori %or3A_179, %slice3A_197 : vector<128x384xi1>
    %reduce_min3A_199 = arith.constant dense<0x7F800000> : vector<128xf32>
    %reduce_min3A_200 = vector.multi_reduction <minimumf>, %select_n3A_196, %reduce_min3A_199 [1] : vector<128x400xf32> to vector<128xf32>
    %broadcast_in_dim3A_201 = vector.shape_cast %reduce_min3A_200 : vector<128xf32> to vector<128x1xf32>
    %eq3A_202 = vector.broadcast %broadcast_in_dim3A_201 : vector<128x1xf32> to vector<128x400xf32>
    %eq3A_203 = arith.cmpf oeq, %select_n3A_196, %eq3A_202 : vector<128x400xf32>
    %jit3A_204 = arith.constant 1.07374182E+9 : f32
    %broadcast_in_dim3A_205 = vector.broadcast %jit3A_204 : f32 to vector<128x400xf32>
    %select_n3A_206 = arith.select %eq3A_203, %concatenate3A_47, %broadcast_in_dim3A_205 : vector<128x400xi1>, vector<128x400xf32>
    %reduce_min3A_207 = arith.constant dense<0x7F800000> : vector<128xf32>
    %reduce_min3A_208 = vector.multi_reduction <minimumf>, %select_n3A_206, %reduce_min3A_207 [1] : vector<128x400xf32> to vector<128xf32>
    %broadcast_in_dim3A_209 = vector.shape_cast %reduce_min3A_208 : vector<128xf32> to vector<128x1xf32>
    %eq3A_210 = vector.broadcast %broadcast_in_dim3A_209 : vector<128x1xf32> to vector<128x400xf32>
    %eq3A_211 = arith.cmpf oeq, %concatenate3A_47, %eq3A_210 : vector<128x400xf32>
    %and3A_212 = arith.andi %eq3A_203, %eq3A_211 : vector<128x400xi1>
    %jit3A_213 = arith.constant 0x7F800000 : f32
    %broadcast_in_dim3A_214 = vector.broadcast %jit3A_213 : f32 to vector<128x400xf32>
    %select_n3A_215 = arith.select %and3A_212, %broadcast_in_dim3A_214, %select_n3A_196 : vector<128x400xi1>, vector<128x400xf32>
    %slice3A_216 = vector.extract_strided_slice %and3A_212 {offsets = [0, 16], sizes = [128, 384], strides = [1, 1]} : vector<128x400xi1> to vector<128x384xi1>
    %or3A_217 = arith.ori %or3A_198, %slice3A_216 : vector<128x384xi1>
    %reduce_min3A_218 = arith.constant dense<0x7F800000> : vector<128xf32>
    %reduce_min3A_219 = vector.multi_reduction <minimumf>, %select_n3A_215, %reduce_min3A_218 [1] : vector<128x400xf32> to vector<128xf32>
    %broadcast_in_dim3A_220 = vector.shape_cast %reduce_min3A_219 : vector<128xf32> to vector<128x1xf32>
    %eq3A_221 = vector.broadcast %broadcast_in_dim3A_220 : vector<128x1xf32> to vector<128x400xf32>
    %eq3A_222 = arith.cmpf oeq, %select_n3A_215, %eq3A_221 : vector<128x400xf32>
    %jit3A_223 = arith.constant 1.07374182E+9 : f32
    %broadcast_in_dim3A_224 = vector.broadcast %jit3A_223 : f32 to vector<128x400xf32>
    %select_n3A_225 = arith.select %eq3A_222, %concatenate3A_47, %broadcast_in_dim3A_224 : vector<128x400xi1>, vector<128x400xf32>
    %reduce_min3A_226 = arith.constant dense<0x7F800000> : vector<128xf32>
    %reduce_min3A_227 = vector.multi_reduction <minimumf>, %select_n3A_225, %reduce_min3A_226 [1] : vector<128x400xf32> to vector<128xf32>
    %broadcast_in_dim3A_228 = vector.shape_cast %reduce_min3A_227 : vector<128xf32> to vector<128x1xf32>
    %eq3A_229 = vector.broadcast %broadcast_in_dim3A_228 : vector<128x1xf32> to vector<128x400xf32>
    %eq3A_230 = arith.cmpf oeq, %concatenate3A_47, %eq3A_229 : vector<128x400xf32>
    %and3A_231 = arith.andi %eq3A_222, %eq3A_230 : vector<128x400xi1>
    %jit3A_232 = arith.constant 0x7F800000 : f32
    %broadcast_in_dim3A_233 = vector.broadcast %jit3A_232 : f32 to vector<128x400xf32>
    %select_n3A_234 = arith.select %and3A_231, %broadcast_in_dim3A_233, %select_n3A_215 : vector<128x400xi1>, vector<128x400xf32>
    %slice3A_235 = vector.extract_strided_slice %and3A_231 {offsets = [0, 16], sizes = [128, 384], strides = [1, 1]} : vector<128x400xi1> to vector<128x384xi1>
    %or3A_236 = arith.ori %or3A_217, %slice3A_235 : vector<128x384xi1>
    %reduce_min3A_237 = arith.constant dense<0x7F800000> : vector<128xf32>
    %reduce_min3A_238 = vector.multi_reduction <minimumf>, %select_n3A_234, %reduce_min3A_237 [1] : vector<128x400xf32> to vector<128xf32>
    %broadcast_in_dim3A_239 = vector.shape_cast %reduce_min3A_238 : vector<128xf32> to vector<128x1xf32>
    %eq3A_240 = vector.broadcast %broadcast_in_dim3A_239 : vector<128x1xf32> to vector<128x400xf32>
    %eq3A_241 = arith.cmpf oeq, %select_n3A_234, %eq3A_240 : vector<128x400xf32>
    %jit3A_242 = arith.constant 1.07374182E+9 : f32
    %broadcast_in_dim3A_243 = vector.broadcast %jit3A_242 : f32 to vector<128x400xf32>
    %select_n3A_244 = arith.select %eq3A_241, %concatenate3A_47, %broadcast_in_dim3A_243 : vector<128x400xi1>, vector<128x400xf32>
    %reduce_min3A_245 = arith.constant dense<0x7F800000> : vector<128xf32>
    %reduce_min3A_246 = vector.multi_reduction <minimumf>, %select_n3A_244, %reduce_min3A_245 [1] : vector<128x400xf32> to vector<128xf32>
    %broadcast_in_dim3A_247 = vector.shape_cast %reduce_min3A_246 : vector<128xf32> to vector<128x1xf32>
    %eq3A_248 = vector.broadcast %broadcast_in_dim3A_247 : vector<128x1xf32> to vector<128x400xf32>
    %eq3A_249 = arith.cmpf oeq, %concatenate3A_47, %eq3A_248 : vector<128x400xf32>
    %and3A_250 = arith.andi %eq3A_241, %eq3A_249 : vector<128x400xi1>
    %jit3A_251 = arith.constant 0x7F800000 : f32
    %broadcast_in_dim3A_252 = vector.broadcast %jit3A_251 : f32 to vector<128x400xf32>
    %select_n3A_253 = arith.select %and3A_250, %broadcast_in_dim3A_252, %select_n3A_234 : vector<128x400xi1>, vector<128x400xf32>
    %slice3A_254 = vector.extract_strided_slice %and3A_250 {offsets = [0, 16], sizes = [128, 384], strides = [1, 1]} : vector<128x400xi1> to vector<128x384xi1>
    %or3A_255 = arith.ori %or3A_236, %slice3A_254 : vector<128x384xi1>
    %reduce_min3A_256 = arith.constant dense<0x7F800000> : vector<128xf32>
    %reduce_min3A_257 = vector.multi_reduction <minimumf>, %select_n3A_253, %reduce_min3A_256 [1] : vector<128x400xf32> to vector<128xf32>
    %broadcast_in_dim3A_258 = vector.shape_cast %reduce_min3A_257 : vector<128xf32> to vector<128x1xf32>
    %eq3A_259 = vector.broadcast %broadcast_in_dim3A_258 : vector<128x1xf32> to vector<128x400xf32>
    %eq3A_260 = arith.cmpf oeq, %select_n3A_253, %eq3A_259 : vector<128x400xf32>
    %jit3A_261 = arith.constant 1.07374182E+9 : f32
    %broadcast_in_dim3A_262 = vector.broadcast %jit3A_261 : f32 to vector<128x400xf32>
    %select_n3A_263 = arith.select %eq3A_260, %concatenate3A_47, %broadcast_in_dim3A_262 : vector<128x400xi1>, vector<128x400xf32>
    %reduce_min3A_264 = arith.constant dense<0x7F800000> : vector<128xf32>
    %reduce_min3A_265 = vector.multi_reduction <minimumf>, %select_n3A_263, %reduce_min3A_264 [1] : vector<128x400xf32> to vector<128xf32>
    %broadcast_in_dim3A_266 = vector.shape_cast %reduce_min3A_265 : vector<128xf32> to vector<128x1xf32>
    %eq3A_267 = vector.broadcast %broadcast_in_dim3A_266 : vector<128x1xf32> to vector<128x400xf32>
    %eq3A_268 = arith.cmpf oeq, %concatenate3A_47, %eq3A_267 : vector<128x400xf32>
    %and3A_269 = arith.andi %eq3A_260, %eq3A_268 : vector<128x400xi1>
    %jit3A_270 = arith.constant 0x7F800000 : f32
    %broadcast_in_dim3A_271 = vector.broadcast %jit3A_270 : f32 to vector<128x400xf32>
    %select_n3A_272 = arith.select %and3A_269, %broadcast_in_dim3A_271, %select_n3A_253 : vector<128x400xi1>, vector<128x400xf32>
    %slice3A_273 = vector.extract_strided_slice %and3A_269 {offsets = [0, 16], sizes = [128, 384], strides = [1, 1]} : vector<128x400xi1> to vector<128x384xi1>
    %or3A_274 = arith.ori %or3A_255, %slice3A_273 : vector<128x384xi1>
    %reduce_min3A_275 = arith.constant dense<0x7F800000> : vector<128xf32>
    %reduce_min3A_276 = vector.multi_reduction <minimumf>, %select_n3A_272, %reduce_min3A_275 [1] : vector<128x400xf32> to vector<128xf32>
    %broadcast_in_dim3A_277 = vector.shape_cast %reduce_min3A_276 : vector<128xf32> to vector<128x1xf32>
    %eq3A_278 = vector.broadcast %broadcast_in_dim3A_277 : vector<128x1xf32> to vector<128x400xf32>
    %eq3A_279 = arith.cmpf oeq, %select_n3A_272, %eq3A_278 : vector<128x400xf32>
    %jit3A_280 = arith.constant 1.07374182E+9 : f32
    %broadcast_in_dim3A_281 = vector.broadcast %jit3A_280 : f32 to vector<128x400xf32>
    %select_n3A_282 = arith.select %eq3A_279, %concatenate3A_47, %broadcast_in_dim3A_281 : vector<128x400xi1>, vector<128x400xf32>
    %reduce_min3A_283 = arith.constant dense<0x7F800000> : vector<128xf32>
    %reduce_min3A_284 = vector.multi_reduction <minimumf>, %select_n3A_282, %reduce_min3A_283 [1] : vector<128x400xf32> to vector<128xf32>
    %broadcast_in_dim3A_285 = vector.shape_cast %reduce_min3A_284 : vector<128xf32> to vector<128x1xf32>
    %eq3A_286 = vector.broadcast %broadcast_in_dim3A_285 : vector<128x1xf32> to vector<128x400xf32>
    %eq3A_287 = arith.cmpf oeq, %concatenate3A_47, %eq3A_286 : vector<128x400xf32>
    %and3A_288 = arith.andi %eq3A_279, %eq3A_287 : vector<128x400xi1>
    %jit3A_289 = arith.constant 0x7F800000 : f32
    %broadcast_in_dim3A_290 = vector.broadcast %jit3A_289 : f32 to vector<128x400xf32>
    %select_n3A_291 = arith.select %and3A_288, %broadcast_in_dim3A_290, %select_n3A_272 : vector<128x400xi1>, vector<128x400xf32>
    %slice3A_292 = vector.extract_strided_slice %and3A_288 {offsets = [0, 16], sizes = [128, 384], strides = [1, 1]} : vector<128x400xi1> to vector<128x384xi1>
    %or3A_293 = arith.ori %or3A_274, %slice3A_292 : vector<128x384xi1>
    %reduce_min3A_294 = arith.constant dense<0x7F800000> : vector<128xf32>
    %reduce_min3A_295 = vector.multi_reduction <minimumf>, %select_n3A_291, %reduce_min3A_294 [1] : vector<128x400xf32> to vector<128xf32>
    %broadcast_in_dim3A_296 = vector.shape_cast %reduce_min3A_295 : vector<128xf32> to vector<128x1xf32>
    %eq3A_297 = vector.broadcast %broadcast_in_dim3A_296 : vector<128x1xf32> to vector<128x400xf32>
    %eq3A_298 = arith.cmpf oeq, %select_n3A_291, %eq3A_297 : vector<128x400xf32>
    %jit3A_299 = arith.constant 1.07374182E+9 : f32
    %broadcast_in_dim3A_300 = vector.broadcast %jit3A_299 : f32 to vector<128x400xf32>
    %select_n3A_301 = arith.select %eq3A_298, %concatenate3A_47, %broadcast_in_dim3A_300 : vector<128x400xi1>, vector<128x400xf32>
    %reduce_min3A_302 = arith.constant dense<0x7F800000> : vector<128xf32>
    %reduce_min3A_303 = vector.multi_reduction <minimumf>, %select_n3A_301, %reduce_min3A_302 [1] : vector<128x400xf32> to vector<128xf32>
    %broadcast_in_dim3A_304 = vector.shape_cast %reduce_min3A_303 : vector<128xf32> to vector<128x1xf32>
    %eq3A_305 = vector.broadcast %broadcast_in_dim3A_304 : vector<128x1xf32> to vector<128x400xf32>
    %eq3A_306 = arith.cmpf oeq, %concatenate3A_47, %eq3A_305 : vector<128x400xf32>
    %and3A_307 = arith.andi %eq3A_298, %eq3A_306 : vector<128x400xi1>
    %jit3A_308 = arith.constant 0x7F800000 : f32
    %broadcast_in_dim3A_309 = vector.broadcast %jit3A_308 : f32 to vector<128x400xf32>
    %select_n3A_310 = arith.select %and3A_307, %broadcast_in_dim3A_309, %select_n3A_291 : vector<128x400xi1>, vector<128x400xf32>
    %slice3A_311 = vector.extract_strided_slice %and3A_307 {offsets = [0, 16], sizes = [128, 384], strides = [1, 1]} : vector<128x400xi1> to vector<128x384xi1>
    %or3A_312 = arith.ori %or3A_293, %slice3A_311 : vector<128x384xi1>
    %reduce_min3A_313 = arith.constant dense<0x7F800000> : vector<128xf32>
    %reduce_min3A_314 = vector.multi_reduction <minimumf>, %select_n3A_310, %reduce_min3A_313 [1] : vector<128x400xf32> to vector<128xf32>
    %broadcast_in_dim3A_315 = vector.shape_cast %reduce_min3A_314 : vector<128xf32> to vector<128x1xf32>
    %eq3A_316 = vector.broadcast %broadcast_in_dim3A_315 : vector<128x1xf32> to vector<128x400xf32>
    %eq3A_317 = arith.cmpf oeq, %select_n3A_310, %eq3A_316 : vector<128x400xf32>
    %jit3A_318 = arith.constant 1.07374182E+9 : f32
    %broadcast_in_dim3A_319 = vector.broadcast %jit3A_318 : f32 to vector<128x400xf32>
    %select_n3A_320 = arith.select %eq3A_317, %concatenate3A_47, %broadcast_in_dim3A_319 : vector<128x400xi1>, vector<128x400xf32>
    %reduce_min3A_321 = arith.constant dense<0x7F800000> : vector<128xf32>
    %reduce_min3A_322 = vector.multi_reduction <minimumf>, %select_n3A_320, %reduce_min3A_321 [1] : vector<128x400xf32> to vector<128xf32>
    %broadcast_in_dim3A_323 = vector.shape_cast %reduce_min3A_322 : vector<128xf32> to vector<128x1xf32>
    %eq3A_324 = vector.broadcast %broadcast_in_dim3A_323 : vector<128x1xf32> to vector<128x400xf32>
    %eq3A_325 = arith.cmpf oeq, %concatenate3A_47, %eq3A_324 : vector<128x400xf32>
    %and3A_326 = arith.andi %eq3A_317, %eq3A_325 : vector<128x400xi1>
    %jit3A_327 = arith.constant 0x7F800000 : f32
    %broadcast_in_dim3A_328 = vector.broadcast %jit3A_327 : f32 to vector<128x400xf32>
    %select_n3A_329 = arith.select %and3A_326, %broadcast_in_dim3A_328, %select_n3A_310 : vector<128x400xi1>, vector<128x400xf32>
    %slice3A_330 = vector.extract_strided_slice %and3A_326 {offsets = [0, 16], sizes = [128, 384], strides = [1, 1]} : vector<128x400xi1> to vector<128x384xi1>
    %or3A_331 = arith.ori %or3A_312, %slice3A_330 : vector<128x384xi1>
    %reduce_min3A_332 = arith.constant dense<0x7F800000> : vector<128xf32>
    %reduce_min3A_333 = vector.multi_reduction <minimumf>, %select_n3A_329, %reduce_min3A_332 [1] : vector<128x400xf32> to vector<128xf32>
    %broadcast_in_dim3A_334 = vector.shape_cast %reduce_min3A_333 : vector<128xf32> to vector<128x1xf32>
    %eq3A_335 = vector.broadcast %broadcast_in_dim3A_334 : vector<128x1xf32> to vector<128x400xf32>
    %eq3A_336 = arith.cmpf oeq, %select_n3A_329, %eq3A_335 : vector<128x400xf32>
    %jit3A_337 = arith.constant 1.07374182E+9 : f32
    %broadcast_in_dim3A_338 = vector.broadcast %jit3A_337 : f32 to vector<128x400xf32>
    %select_n3A_339 = arith.select %eq3A_336, %concatenate3A_47, %broadcast_in_dim3A_338 : vector<128x400xi1>, vector<128x400xf32>
    %reduce_min3A_340 = arith.constant dense<0x7F800000> : vector<128xf32>
    %reduce_min3A_341 = vector.multi_reduction <minimumf>, %select_n3A_339, %reduce_min3A_340 [1] : vector<128x400xf32> to vector<128xf32>
    %broadcast_in_dim3A_342 = vector.shape_cast %reduce_min3A_341 : vector<128xf32> to vector<128x1xf32>
    %eq3A_343 = vector.broadcast %broadcast_in_dim3A_342 : vector<128x1xf32> to vector<128x400xf32>
    %eq3A_344 = arith.cmpf oeq, %concatenate3A_47, %eq3A_343 : vector<128x400xf32>
    %and3A_345 = arith.andi %eq3A_336, %eq3A_344 : vector<128x400xi1>
    %slice3A_346 = vector.extract_strided_slice %and3A_345 {offsets = [0, 16], sizes = [128, 384], strides = [1, 1]} : vector<128x400xi1> to vector<128x384xi1>
    %or3A_347 = arith.ori %or3A_331, %slice3A_346 : vector<128x384xi1>
    %concatenate3A_348 = tpu.concatenate %broadcast_in_dim3A_51, %broadcast_in_dim3A_68, %broadcast_in_dim3A_87, %broadcast_in_dim3A_106, %broadcast_in_dim3A_125, %broadcast_in_dim3A_144, %broadcast_in_dim3A_163, %broadcast_in_dim3A_182, %broadcast_in_dim3A_201, %broadcast_in_dim3A_220, %broadcast_in_dim3A_239, %broadcast_in_dim3A_258, %broadcast_in_dim3A_277, %broadcast_in_dim3A_296, %broadcast_in_dim3A_315, %broadcast_in_dim3A_334 in 1 : vector<128x1xf32>, vector<128x1xf32>, vector<128x1xf32>, vector<128x1xf32>, vector<128x1xf32>, vector<128x1xf32>, vector<128x1xf32>, vector<128x1xf32>, vector<128x1xf32>, vector<128x1xf32>, vector<128x1xf32>, vector<128x1xf32>, vector<128x1xf32>, vector<128x1xf32>, vector<128x1xf32>, vector<128x1xf32> -> vector<128x16xf32>
    %concatenate3A_349 = tpu.concatenate %broadcast_in_dim3A_59, %broadcast_in_dim3A_76, %broadcast_in_dim3A_95, %broadcast_in_dim3A_114, %broadcast_in_dim3A_133, %broadcast_in_dim3A_152, %broadcast_in_dim3A_171, %broadcast_in_dim3A_190, %broadcast_in_dim3A_209, %broadcast_in_dim3A_228, %broadcast_in_dim3A_247, %broadcast_in_dim3A_266, %broadcast_in_dim3A_285, %broadcast_in_dim3A_304, %broadcast_in_dim3A_323, %broadcast_in_dim3A_342 in 1 : vector<128x1xf32>, vector<128x1xf32>, vector<128x1xf32>, vector<128x1xf32>, vector<128x1xf32>, vector<128x1xf32>, vector<128x1xf32>, vector<128x1xf32>, vector<128x1xf32>, vector<128x1xf32>, vector<128x1xf32>, vector<128x1xf32>, vector<128x1xf32>, vector<128x1xf32>, vector<128x1xf32>, vector<128x1xf32> -> vector<128x16xf32>
    %slice3A_350 = vector.extract_strided_slice %or3A_347 {offsets = [0, 0], sizes = [128, 128], strides = [1, 1]} : vector<128x384xi1> to vector<128x128xi1>
    %slice3A_351 = vector.extract_strided_slice %or3A_347 {offsets = [0, 128], sizes = [128, 128], strides = [1, 1]} : vector<128x384xi1> to vector<128x128xi1>
    %slice3A_352 = vector.extract_strided_slice %or3A_347 {offsets = [0, 256], sizes = [128, 128], strides = [1, 1]} : vector<128x384xi1> to vector<128x128xi1>
    %jit3A_353 = arith.constant -1.000000e+00 : f32
    %broadcast_in_dim3A_354 = vector.broadcast %jit3A_353 : f32 to vector<128x128xf32>
    %select_n3A_355 = arith.select %slice3A_350, %scan3A_18#0, %broadcast_in_dim3A_354 : vector<128x128xi1>, vector<128x128xf32>
    %select_n3A_356 = arith.select %slice3A_351, %scan3A_18#2, %select_n3A_355 : vector<128x128xi1>, vector<128x128xf32>
    %select_n3A_357 = arith.select %slice3A_352, %scan3A_18#4, %select_n3A_356 : vector<128x128xi1>, vector<128x128xf32>
    %jit3A_358 = arith.constant -1 : i32
    %broadcast_in_dim3A_359 = vector.broadcast %jit3A_358 : i32 to vector<128x128xi32>
    %select_n3A_360 = arith.select %slice3A_350, %scan3A_18#1, %broadcast_in_dim3A_359 : vector<128x128xi1>, vector<128x128xi32>
    %select_n3A_361 = arith.select %slice3A_351, %scan3A_18#3, %select_n3A_360 : vector<128x128xi1>, vector<128x128xi32>
    %select_n3A_362 = arith.select %slice3A_352, %scan3A_18#5, %select_n3A_361 : vector<128x128xi1>, vector<128x128xi32>
    %convert_element_type3A_363 = arith.extui %slice3A_352 : vector<128x128xi1> to vector<128x128xi32>
    %reduce_sum3A_364 = vector.shape_cast %convert_element_type3A_363 : vector<128x128xi32> to vector<1x128x128xi32>
    %reduce_sum3A_365 = arith.constant dense<0> : vector<1xi32>
    %reduce_sum3A_366 = vector.multi_reduction <add>, %reduce_sum3A_364, %reduce_sum3A_365 [1, 2] : vector<1x128x128xi32> to vector<1xi32>
    %reduce_sum3A_367 = vector.shape_cast %reduce_sum3A_366 : vector<1xi32> to vector<1x1x1xi32>
    %reduce_sum3A_368 = vector.extract %reduce_sum3A_367[0, 0, 0] : i32 from vector<1x1x1xi32>
    %eq3A_369 = arith.constant 0 : i32
    %eq3A_370 = arith.cmpi eq, %reduce_sum3A_368, %eq3A_369 : i32
    %scan3A_371 = arith.constant 0 : i32
    %scan3A_372 = arith.constant 15 : i32
    %scan3A_373 = arith.addi %scan3A_371, %scan3A_372 : i32
    %scan3A_374 = arith.constant 1 : i32
    %scan3A_375:5 = scf.for %scan3A_385 = %scan3A_371 to %scan3A_373 step %scan3A_374 iter_args(%scan3A_386 = %concatenate3A_348, %scan3A_387 = %concatenate3A_349, %scan3A_388 = %select_n3A_357, %scan3A_389 = %select_n3A_362, %scan3A_390 = %eq3A_370) -> (vector<128x16xf32>, vector<128x16xf32>, vector<128x128xf32>, vector<128x128xi32>, i1)  : i32 {
      %convert_element_type3A_391 = arith.extui %scan3A_390 : i1 to i32
      %cond3A = arith.constant 0 : i32
      %cond3A_392 = arith.cmpi ne, %convert_element_type3A_391, %cond3A : i32
      %cond3A_393:5 = scf.if %cond3A_392 -> (vector<128x16xf32>, vector<128x16xf32>, vector<128x128xf32>, vector<128x128xi32>, i1) {
        scf.yield %scan3A_386, %scan3A_387, %scan3A_388, %scan3A_389, %scan3A_390 : vector<128x16xf32>, vector<128x16xf32>, vector<128x128xf32>, vector<128x128xi32>, i1
      } else {
        %scan3A_394 = arith.constant 0 : i32
        %scan3A_395 = arith.constant 20 : i32
        %scan3A_396 = arith.addi %scan3A_394, %scan3A_395 : i32
        %scan3A_397 = arith.constant 1 : i32
        %scan3A_398:2 = scf.for %scan3A_745 = %scan3A_394 to %scan3A_396 step %scan3A_397 iter_args(%scan3A_746 = %broadcast_in_dim3A_12, %scan3A_747 = %broadcast_in_dim3A_14) -> (vector<128x128xf32>, vector<128x128xi32>)  : i32 {
          %mul3A_748 = arith.constant 512 : i32
          %mul3A_749 = arith.muli %scan3A_745, %mul3A_748 : i32
          %get3A_750 = arith.constant 0 : index
          %get3A_751 = arith.index_cast %mul3A_749 : i32 to index
          %get3A_752 = vector.load %arg4[%get3A_750, %get3A_751] : memref<128x10240xf32, #tpu.memory_space<vmem>>, vector<128x512xf32>
          %concatenate3A_753 = tpu.concatenate %scan3A_388, %scan3A_388, %scan3A_388, %scan3A_388 in 1 : vector<128x128xf32>, vector<128x128xf32>, vector<128x128xf32>, vector<128x128xf32> -> vector<128x512xf32>
          %concatenate3A_754 = tpu.concatenate %scan3A_389, %scan3A_389, %scan3A_389, %scan3A_389 in 1 : vector<128x128xi32>, vector<128x128xi32>, vector<128x128xi32>, vector<128x128xi32> -> vector<128x512xi32>
          %iota3A_755 = tpu.iota {dimensions = array<i32: 1>} : vector<128x512xi32>
          %mul3A_756 = arith.constant 4 : i32
          %mul3A_757 = arith.muli %scan3A_745, %mul3A_756 : i32
          %jit3A_758 = arith.constant 128 : i32
          %div3A = vector.broadcast %jit3A_758 : i32 to vector<128x512xi32>
          %div3A_759 = arith.divsi %iota3A_755, %div3A : vector<128x512xi32>
          %sign3A = arith.constant 0 : i32
          %sign3A_760 = vector.broadcast %sign3A : i32 to vector<128x512xi32>
          %sign3A_761 = arith.cmpi sgt, %iota3A_755, %sign3A_760 : vector<128x512xi32>
          %sign3A_762 = arith.extui %sign3A_761 : vector<128x512xi1> to vector<128x512xi32>
          %sign3A_763 = arith.constant 0 : i32
          %sign3A_764 = vector.broadcast %sign3A_763 : i32 to vector<128x512xi32>
          %sign3A_765 = arith.cmpi slt, %iota3A_755, %sign3A_764 : vector<128x512xi32>
          %sign3A_766 = arith.extui %sign3A_765 : vector<128x512xi1> to vector<128x512xi32>
          %sign3A_767 = arith.subi %sign3A_762, %sign3A_766 : vector<128x512xi32>
          %sign3A_768 = arith.constant 0 : i32
          %sign3A_769 = arith.cmpi sgt, %jit3A_758, %sign3A_768 : i32
          %sign3A_770 = arith.extui %sign3A_769 : i1 to i32
          %sign3A_771 = arith.constant 0 : i32
          %sign3A_772 = arith.cmpi slt, %jit3A_758, %sign3A_771 : i32
          %sign3A_773 = arith.extui %sign3A_772 : i1 to i32
          %sign3A_774 = arith.subi %sign3A_770, %sign3A_773 : i32
          %ne3A_775 = vector.broadcast %sign3A_774 : i32 to vector<128x512xi32>
          %ne3A_776 = arith.cmpi ne, %sign3A_767, %ne3A_775 : vector<128x512xi32>
          %rem3A_777 = vector.broadcast %jit3A_758 : i32 to vector<128x512xi32>
          %rem3A_778 = arith.remsi %iota3A_755, %rem3A_777 : vector<128x512xi32>
          %ne3A_779 = arith.constant 0 : i32
          %ne3A_780 = vector.broadcast %ne3A_779 : i32 to vector<128x512xi32>
          %ne3A_781 = arith.cmpi ne, %rem3A_778, %ne3A_780 : vector<128x512xi32>
          %and3A_782 = arith.andi %ne3A_776, %ne3A_781 : vector<128x512xi1>
          %sub3A = arith.constant 1 : i32
          %sub3A_783 = vector.broadcast %sub3A : i32 to vector<128x512xi32>
          %sub3A_784 = arith.subi %div3A_759, %sub3A_783 : vector<128x512xi32>
          %select_n3A_785 = arith.select %and3A_782, %sub3A_784, %div3A_759 : vector<128x512xi1>, vector<128x512xi32>
          %add3A_786 = vector.broadcast %mul3A_757 : i32 to vector<128x512xi32>
          %add3A_787 = arith.addi %add3A_786, %select_n3A_785 : vector<128x512xi32>
          %lt3A_788 = arith.cmpf olt, %get3A_752, %concatenate3A_753 : vector<128x512xf32>
          %eq3A_789 = arith.cmpf oeq, %get3A_752, %concatenate3A_753 : vector<128x512xf32>
          %le3A = arith.cmpi sle, %add3A_787, %concatenate3A_754 : vector<128x512xi32>
          %and3A_790 = arith.andi %eq3A_789, %le3A : vector<128x512xi1>
          %or3A_791 = arith.ori %lt3A_788, %and3A_790 : vector<128x512xi1>
          %jit3A_792 = arith.constant 0x7F800000 : f32
          %broadcast_in_dim3A_793 = vector.broadcast %jit3A_792 : f32 to vector<128x512xf32>
          %select_n3A_794 = arith.select %or3A_791, %broadcast_in_dim3A_793, %get3A_752 : vector<128x512xi1>, vector<128x512xf32>
          %slice3A_795 = vector.extract_strided_slice %select_n3A_794 {offsets = [0, 0], sizes = [128, 128], strides = [1, 1]} : vector<128x512xf32> to vector<128x128xf32>
          %mul3A_796 = arith.constant 4 : i32
          %mul3A_797 = arith.muli %scan3A_745, %mul3A_796 : i32
          %add3A_798 = arith.constant 0 : i32
          %add3A_799 = arith.addi %mul3A_797, %add3A_798 : i32
          %lt3A_800 = arith.cmpf olt, %slice3A_795, %scan3A_746 : vector<128x128xf32>
          %select_n3A_801 = arith.select %lt3A_800, %slice3A_795, %scan3A_746 : vector<128x128xi1>, vector<128x128xf32>
          %broadcast_in_dim3A_802 = vector.broadcast %add3A_799 : i32 to vector<128x128xi32>
          %select_n3A_803 = arith.select %lt3A_800, %broadcast_in_dim3A_802, %scan3A_747 : vector<128x128xi1>, vector<128x128xi32>
          %slice3A_804 = vector.extract_strided_slice %select_n3A_794 {offsets = [0, 128], sizes = [128, 128], strides = [1, 1]} : vector<128x512xf32> to vector<128x128xf32>
          %mul3A_805 = arith.constant 4 : i32
          %mul3A_806 = arith.muli %scan3A_745, %mul3A_805 : i32
          %add3A_807 = arith.constant 1 : i32
          %add3A_808 = arith.addi %mul3A_806, %add3A_807 : i32
          %lt3A_809 = arith.cmpf olt, %slice3A_804, %select_n3A_801 : vector<128x128xf32>
          %select_n3A_810 = arith.select %lt3A_809, %slice3A_804, %select_n3A_801 : vector<128x128xi1>, vector<128x128xf32>
          %broadcast_in_dim3A_811 = vector.broadcast %add3A_808 : i32 to vector<128x128xi32>
          %select_n3A_812 = arith.select %lt3A_809, %broadcast_in_dim3A_811, %select_n3A_803 : vector<128x128xi1>, vector<128x128xi32>
          %slice3A_813 = vector.extract_strided_slice %select_n3A_794 {offsets = [0, 256], sizes = [128, 128], strides = [1, 1]} : vector<128x512xf32> to vector<128x128xf32>
          %mul3A_814 = arith.constant 4 : i32
          %mul3A_815 = arith.muli %scan3A_745, %mul3A_814 : i32
          %add3A_816 = arith.constant 2 : i32
          %add3A_817 = arith.addi %mul3A_815, %add3A_816 : i32
          %lt3A_818 = arith.cmpf olt, %slice3A_813, %select_n3A_810 : vector<128x128xf32>
          %select_n3A_819 = arith.select %lt3A_818, %slice3A_813, %select_n3A_810 : vector<128x128xi1>, vector<128x128xf32>
          %broadcast_in_dim3A_820 = vector.broadcast %add3A_817 : i32 to vector<128x128xi32>
          %select_n3A_821 = arith.select %lt3A_818, %broadcast_in_dim3A_820, %select_n3A_812 : vector<128x128xi1>, vector<128x128xi32>
          %slice3A_822 = vector.extract_strided_slice %select_n3A_794 {offsets = [0, 384], sizes = [128, 128], strides = [1, 1]} : vector<128x512xf32> to vector<128x128xf32>
          %mul3A_823 = arith.constant 4 : i32
          %mul3A_824 = arith.muli %scan3A_745, %mul3A_823 : i32
          %add3A_825 = arith.constant 3 : i32
          %add3A_826 = arith.addi %mul3A_824, %add3A_825 : i32
          %lt3A_827 = arith.cmpf olt, %slice3A_822, %select_n3A_819 : vector<128x128xf32>
          %select_n3A_828 = arith.select %lt3A_827, %slice3A_822, %select_n3A_819 : vector<128x128xi1>, vector<128x128xf32>
          %broadcast_in_dim3A_829 = vector.broadcast %add3A_826 : i32 to vector<128x128xi32>
          %select_n3A_830 = arith.select %lt3A_827, %broadcast_in_dim3A_829, %select_n3A_821 : vector<128x128xi1>, vector<128x128xi32>
          scf.yield %select_n3A_828, %select_n3A_830 : vector<128x128xf32>, vector<128x128xi32>
        }
        %scan3A_399 = arith.constant 20 : i32
        %iota3A_400 = tpu.iota {dimensions = array<i32: 1>} : vector<128x128xi32>
        %jit3A_401 = arith.constant 128 : i32
        %eq3A_402 = arith.constant 0 : i32
        %eq3A_403 = arith.cmpi eq, %jit3A_401, %eq3A_402 : i32
        %jit3A_404 = arith.constant 1 : i32
        %select_n3A_405 = arith.select %eq3A_403, %jit3A_404, %jit3A_401 : i32
        %rem3A_406 = vector.broadcast %select_n3A_405 : i32 to vector<128x128xi32>
        %rem3A_407 = arith.remsi %iota3A_400, %rem3A_406 : vector<128x128xi32>
        %ne3A_408 = arith.constant 0 : i32
        %ne3A_409 = vector.broadcast %ne3A_408 : i32 to vector<128x128xi32>
        %ne3A_410 = arith.cmpi ne, %rem3A_407, %ne3A_409 : vector<128x128xi32>
        %lt3A_411 = arith.constant 0 : i32
        %lt3A_412 = vector.broadcast %lt3A_411 : i32 to vector<128x128xi32>
        %lt3A_413 = arith.cmpi slt, %rem3A_407, %lt3A_412 : vector<128x128xi32>
        %lt3A_414 = arith.constant 0 : i32
        %lt3A_415 = arith.cmpi slt, %select_n3A_405, %lt3A_414 : i32
        %ne3A_416 = vector.broadcast %lt3A_415 : i1 to vector<128x128xi1>
        %ne3A_417 = vector.broadcast %ne3A_416 : vector<128x128xi1> to vector<128x128xi1>
        %ne3A_418 = arith.xori %lt3A_413, %ne3A_417 : vector<128x128xi1>
        %and3A_419 = arith.andi %ne3A_418, %ne3A_410 : vector<128x128xi1>
        %add3A_420 = vector.broadcast %select_n3A_405 : i32 to vector<128x128xi32>
        %add3A_421 = arith.addi %rem3A_407, %add3A_420 : vector<128x128xi32>
        %select_n3A_422 = arith.select %and3A_419, %add3A_421, %rem3A_407 : vector<128x128xi1>, vector<128x128xi32>
        %mul3A_423 = arith.constant 128 : i32
        %mul3A_424 = vector.broadcast %mul3A_423 : i32 to vector<128x128xi32>
        %mul3A_425 = arith.muli %scan3A_398#1, %mul3A_424 : vector<128x128xi32>
        %add3A_426 = arith.addi %mul3A_425, %select_n3A_422 : vector<128x128xi32>
        %convert_element_type3A_427 = arith.sitofp %add3A_426 : vector<128x128xi32> to vector<128x128xf32>
        %concatenate3A_428 = tpu.concatenate %scan3A_386, %scan3A_398#0 in 1 : vector<128x16xf32>, vector<128x128xf32> -> vector<128x144xf32>
        %concatenate3A_429 = tpu.concatenate %scan3A_387, %convert_element_type3A_427 in 1 : vector<128x16xf32>, vector<128x128xf32> -> vector<128x144xf32>
        %broadcast_in_dim3A_430 = arith.constant false
        %broadcast_in_dim3A_431 = vector.broadcast %broadcast_in_dim3A_430 : i1 to vector<128x128xi1>
        %reduce_min3A_432 = arith.constant dense<0x7F800000> : vector<128xf32>
        %reduce_min3A_433 = vector.multi_reduction <minimumf>, %concatenate3A_428, %reduce_min3A_432 [1] : vector<128x144xf32> to vector<128xf32>
        %broadcast_in_dim3A_434 = vector.shape_cast %reduce_min3A_433 : vector<128xf32> to vector<128x1xf32>
        %eq3A_435 = vector.broadcast %broadcast_in_dim3A_434 : vector<128x1xf32> to vector<128x144xf32>
        %eq3A_436 = arith.cmpf oeq, %concatenate3A_428, %eq3A_435 : vector<128x144xf32>
        %jit3A_437 = arith.constant 1.07374182E+9 : f32
        %broadcast_in_dim3A_438 = vector.broadcast %jit3A_437 : f32 to vector<128x144xf32>
        %select_n3A_439 = arith.select %eq3A_436, %concatenate3A_429, %broadcast_in_dim3A_438 : vector<128x144xi1>, vector<128x144xf32>
        %reduce_min3A_440 = arith.constant dense<0x7F800000> : vector<128xf32>
        %reduce_min3A_441 = vector.multi_reduction <minimumf>, %select_n3A_439, %reduce_min3A_440 [1] : vector<128x144xf32> to vector<128xf32>
        %broadcast_in_dim3A_442 = vector.shape_cast %reduce_min3A_441 : vector<128xf32> to vector<128x1xf32>
        %eq3A_443 = vector.broadcast %broadcast_in_dim3A_442 : vector<128x1xf32> to vector<128x144xf32>
        %eq3A_444 = arith.cmpf oeq, %concatenate3A_429, %eq3A_443 : vector<128x144xf32>
        %and3A_445 = arith.andi %eq3A_436, %eq3A_444 : vector<128x144xi1>
        %jit3A_446 = arith.constant 0x7F800000 : f32
        %broadcast_in_dim3A_447 = vector.broadcast %jit3A_446 : f32 to vector<128x144xf32>
        %select_n3A_448 = arith.select %and3A_445, %broadcast_in_dim3A_447, %concatenate3A_428 : vector<128x144xi1>, vector<128x144xf32>
        %slice3A_449 = vector.extract_strided_slice %and3A_445 {offsets = [0, 16], sizes = [128, 128], strides = [1, 1]} : vector<128x144xi1> to vector<128x128xi1>
        %or3A_450 = arith.ori %broadcast_in_dim3A_431, %slice3A_449 : vector<128x128xi1>
        %reduce_min3A_451 = arith.constant dense<0x7F800000> : vector<128xf32>
        %reduce_min3A_452 = vector.multi_reduction <minimumf>, %select_n3A_448, %reduce_min3A_451 [1] : vector<128x144xf32> to vector<128xf32>
        %broadcast_in_dim3A_453 = vector.shape_cast %reduce_min3A_452 : vector<128xf32> to vector<128x1xf32>
        %eq3A_454 = vector.broadcast %broadcast_in_dim3A_453 : vector<128x1xf32> to vector<128x144xf32>
        %eq3A_455 = arith.cmpf oeq, %select_n3A_448, %eq3A_454 : vector<128x144xf32>
        %jit3A_456 = arith.constant 1.07374182E+9 : f32
        %broadcast_in_dim3A_457 = vector.broadcast %jit3A_456 : f32 to vector<128x144xf32>
        %select_n3A_458 = arith.select %eq3A_455, %concatenate3A_429, %broadcast_in_dim3A_457 : vector<128x144xi1>, vector<128x144xf32>
        %reduce_min3A_459 = arith.constant dense<0x7F800000> : vector<128xf32>
        %reduce_min3A_460 = vector.multi_reduction <minimumf>, %select_n3A_458, %reduce_min3A_459 [1] : vector<128x144xf32> to vector<128xf32>
        %broadcast_in_dim3A_461 = vector.shape_cast %reduce_min3A_460 : vector<128xf32> to vector<128x1xf32>
        %eq3A_462 = vector.broadcast %broadcast_in_dim3A_461 : vector<128x1xf32> to vector<128x144xf32>
        %eq3A_463 = arith.cmpf oeq, %concatenate3A_429, %eq3A_462 : vector<128x144xf32>
        %and3A_464 = arith.andi %eq3A_455, %eq3A_463 : vector<128x144xi1>
        %jit3A_465 = arith.constant 0x7F800000 : f32
        %broadcast_in_dim3A_466 = vector.broadcast %jit3A_465 : f32 to vector<128x144xf32>
        %select_n3A_467 = arith.select %and3A_464, %broadcast_in_dim3A_466, %select_n3A_448 : vector<128x144xi1>, vector<128x144xf32>
        %slice3A_468 = vector.extract_strided_slice %and3A_464 {offsets = [0, 16], sizes = [128, 128], strides = [1, 1]} : vector<128x144xi1> to vector<128x128xi1>
        %or3A_469 = arith.ori %or3A_450, %slice3A_468 : vector<128x128xi1>
        %reduce_min3A_470 = arith.constant dense<0x7F800000> : vector<128xf32>
        %reduce_min3A_471 = vector.multi_reduction <minimumf>, %select_n3A_467, %reduce_min3A_470 [1] : vector<128x144xf32> to vector<128xf32>
        %broadcast_in_dim3A_472 = vector.shape_cast %reduce_min3A_471 : vector<128xf32> to vector<128x1xf32>
        %eq3A_473 = vector.broadcast %broadcast_in_dim3A_472 : vector<128x1xf32> to vector<128x144xf32>
        %eq3A_474 = arith.cmpf oeq, %select_n3A_467, %eq3A_473 : vector<128x144xf32>
        %jit3A_475 = arith.constant 1.07374182E+9 : f32
        %broadcast_in_dim3A_476 = vector.broadcast %jit3A_475 : f32 to vector<128x144xf32>
        %select_n3A_477 = arith.select %eq3A_474, %concatenate3A_429, %broadcast_in_dim3A_476 : vector<128x144xi1>, vector<128x144xf32>
        %reduce_min3A_478 = arith.constant dense<0x7F800000> : vector<128xf32>
        %reduce_min3A_479 = vector.multi_reduction <minimumf>, %select_n3A_477, %reduce_min3A_478 [1] : vector<128x144xf32> to vector<128xf32>
        %broadcast_in_dim3A_480 = vector.shape_cast %reduce_min3A_479 : vector<128xf32> to vector<128x1xf32>
        %eq3A_481 = vector.broadcast %broadcast_in_dim3A_480 : vector<128x1xf32> to vector<128x144xf32>
        %eq3A_482 = arith.cmpf oeq, %concatenate3A_429, %eq3A_481 : vector<128x144xf32>
        %and3A_483 = arith.andi %eq3A_474, %eq3A_482 : vector<128x144xi1>
        %jit3A_484 = arith.constant 0x7F800000 : f32
        %broadcast_in_dim3A_485 = vector.broadcast %jit3A_484 : f32 to vector<128x144xf32>
        %select_n3A_486 = arith.select %and3A_483, %broadcast_in_dim3A_485, %select_n3A_467 : vector<128x144xi1>, vector<128x144xf32>
        %slice3A_487 = vector.extract_strided_slice %and3A_483 {offsets = [0, 16], sizes = [128, 128], strides = [1, 1]} : vector<128x144xi1> to vector<128x128xi1>
        %or3A_488 = arith.ori %or3A_469, %slice3A_487 : vector<128x128xi1>
        %reduce_min3A_489 = arith.constant dense<0x7F800000> : vector<128xf32>
        %reduce_min3A_490 = vector.multi_reduction <minimumf>, %select_n3A_486, %reduce_min3A_489 [1] : vector<128x144xf32> to vector<128xf32>
        %broadcast_in_dim3A_491 = vector.shape_cast %reduce_min3A_490 : vector<128xf32> to vector<128x1xf32>
        %eq3A_492 = vector.broadcast %broadcast_in_dim3A_491 : vector<128x1xf32> to vector<128x144xf32>
        %eq3A_493 = arith.cmpf oeq, %select_n3A_486, %eq3A_492 : vector<128x144xf32>
        %jit3A_494 = arith.constant 1.07374182E+9 : f32
        %broadcast_in_dim3A_495 = vector.broadcast %jit3A_494 : f32 to vector<128x144xf32>
        %select_n3A_496 = arith.select %eq3A_493, %concatenate3A_429, %broadcast_in_dim3A_495 : vector<128x144xi1>, vector<128x144xf32>
        %reduce_min3A_497 = arith.constant dense<0x7F800000> : vector<128xf32>
        %reduce_min3A_498 = vector.multi_reduction <minimumf>, %select_n3A_496, %reduce_min3A_497 [1] : vector<128x144xf32> to vector<128xf32>
        %broadcast_in_dim3A_499 = vector.shape_cast %reduce_min3A_498 : vector<128xf32> to vector<128x1xf32>
        %eq3A_500 = vector.broadcast %broadcast_in_dim3A_499 : vector<128x1xf32> to vector<128x144xf32>
        %eq3A_501 = arith.cmpf oeq, %concatenate3A_429, %eq3A_500 : vector<128x144xf32>
        %and3A_502 = arith.andi %eq3A_493, %eq3A_501 : vector<128x144xi1>
        %jit3A_503 = arith.constant 0x7F800000 : f32
        %broadcast_in_dim3A_504 = vector.broadcast %jit3A_503 : f32 to vector<128x144xf32>
        %select_n3A_505 = arith.select %and3A_502, %broadcast_in_dim3A_504, %select_n3A_486 : vector<128x144xi1>, vector<128x144xf32>
        %slice3A_506 = vector.extract_strided_slice %and3A_502 {offsets = [0, 16], sizes = [128, 128], strides = [1, 1]} : vector<128x144xi1> to vector<128x128xi1>
        %or3A_507 = arith.ori %or3A_488, %slice3A_506 : vector<128x128xi1>
        %reduce_min3A_508 = arith.constant dense<0x7F800000> : vector<128xf32>
        %reduce_min3A_509 = vector.multi_reduction <minimumf>, %select_n3A_505, %reduce_min3A_508 [1] : vector<128x144xf32> to vector<128xf32>
        %broadcast_in_dim3A_510 = vector.shape_cast %reduce_min3A_509 : vector<128xf32> to vector<128x1xf32>
        %eq3A_511 = vector.broadcast %broadcast_in_dim3A_510 : vector<128x1xf32> to vector<128x144xf32>
        %eq3A_512 = arith.cmpf oeq, %select_n3A_505, %eq3A_511 : vector<128x144xf32>
        %jit3A_513 = arith.constant 1.07374182E+9 : f32
        %broadcast_in_dim3A_514 = vector.broadcast %jit3A_513 : f32 to vector<128x144xf32>
        %select_n3A_515 = arith.select %eq3A_512, %concatenate3A_429, %broadcast_in_dim3A_514 : vector<128x144xi1>, vector<128x144xf32>
        %reduce_min3A_516 = arith.constant dense<0x7F800000> : vector<128xf32>
        %reduce_min3A_517 = vector.multi_reduction <minimumf>, %select_n3A_515, %reduce_min3A_516 [1] : vector<128x144xf32> to vector<128xf32>
        %broadcast_in_dim3A_518 = vector.shape_cast %reduce_min3A_517 : vector<128xf32> to vector<128x1xf32>
        %eq3A_519 = vector.broadcast %broadcast_in_dim3A_518 : vector<128x1xf32> to vector<128x144xf32>
        %eq3A_520 = arith.cmpf oeq, %concatenate3A_429, %eq3A_519 : vector<128x144xf32>
        %and3A_521 = arith.andi %eq3A_512, %eq3A_520 : vector<128x144xi1>
        %jit3A_522 = arith.constant 0x7F800000 : f32
        %broadcast_in_dim3A_523 = vector.broadcast %jit3A_522 : f32 to vector<128x144xf32>
        %select_n3A_524 = arith.select %and3A_521, %broadcast_in_dim3A_523, %select_n3A_505 : vector<128x144xi1>, vector<128x144xf32>
        %slice3A_525 = vector.extract_strided_slice %and3A_521 {offsets = [0, 16], sizes = [128, 128], strides = [1, 1]} : vector<128x144xi1> to vector<128x128xi1>
        %or3A_526 = arith.ori %or3A_507, %slice3A_525 : vector<128x128xi1>
        %reduce_min3A_527 = arith.constant dense<0x7F800000> : vector<128xf32>
        %reduce_min3A_528 = vector.multi_reduction <minimumf>, %select_n3A_524, %reduce_min3A_527 [1] : vector<128x144xf32> to vector<128xf32>
        %broadcast_in_dim3A_529 = vector.shape_cast %reduce_min3A_528 : vector<128xf32> to vector<128x1xf32>
        %eq3A_530 = vector.broadcast %broadcast_in_dim3A_529 : vector<128x1xf32> to vector<128x144xf32>
        %eq3A_531 = arith.cmpf oeq, %select_n3A_524, %eq3A_530 : vector<128x144xf32>
        %jit3A_532 = arith.constant 1.07374182E+9 : f32
        %broadcast_in_dim3A_533 = vector.broadcast %jit3A_532 : f32 to vector<128x144xf32>
        %select_n3A_534 = arith.select %eq3A_531, %concatenate3A_429, %broadcast_in_dim3A_533 : vector<128x144xi1>, vector<128x144xf32>
        %reduce_min3A_535 = arith.constant dense<0x7F800000> : vector<128xf32>
        %reduce_min3A_536 = vector.multi_reduction <minimumf>, %select_n3A_534, %reduce_min3A_535 [1] : vector<128x144xf32> to vector<128xf32>
        %broadcast_in_dim3A_537 = vector.shape_cast %reduce_min3A_536 : vector<128xf32> to vector<128x1xf32>
        %eq3A_538 = vector.broadcast %broadcast_in_dim3A_537 : vector<128x1xf32> to vector<128x144xf32>
        %eq3A_539 = arith.cmpf oeq, %concatenate3A_429, %eq3A_538 : vector<128x144xf32>
        %and3A_540 = arith.andi %eq3A_531, %eq3A_539 : vector<128x144xi1>
        %jit3A_541 = arith.constant 0x7F800000 : f32
        %broadcast_in_dim3A_542 = vector.broadcast %jit3A_541 : f32 to vector<128x144xf32>
        %select_n3A_543 = arith.select %and3A_540, %broadcast_in_dim3A_542, %select_n3A_524 : vector<128x144xi1>, vector<128x144xf32>
        %slice3A_544 = vector.extract_strided_slice %and3A_540 {offsets = [0, 16], sizes = [128, 128], strides = [1, 1]} : vector<128x144xi1> to vector<128x128xi1>
        %or3A_545 = arith.ori %or3A_526, %slice3A_544 : vector<128x128xi1>
        %reduce_min3A_546 = arith.constant dense<0x7F800000> : vector<128xf32>
        %reduce_min3A_547 = vector.multi_reduction <minimumf>, %select_n3A_543, %reduce_min3A_546 [1] : vector<128x144xf32> to vector<128xf32>
        %broadcast_in_dim3A_548 = vector.shape_cast %reduce_min3A_547 : vector<128xf32> to vector<128x1xf32>
        %eq3A_549 = vector.broadcast %broadcast_in_dim3A_548 : vector<128x1xf32> to vector<128x144xf32>
        %eq3A_550 = arith.cmpf oeq, %select_n3A_543, %eq3A_549 : vector<128x144xf32>
        %jit3A_551 = arith.constant 1.07374182E+9 : f32
        %broadcast_in_dim3A_552 = vector.broadcast %jit3A_551 : f32 to vector<128x144xf32>
        %select_n3A_553 = arith.select %eq3A_550, %concatenate3A_429, %broadcast_in_dim3A_552 : vector<128x144xi1>, vector<128x144xf32>
        %reduce_min3A_554 = arith.constant dense<0x7F800000> : vector<128xf32>
        %reduce_min3A_555 = vector.multi_reduction <minimumf>, %select_n3A_553, %reduce_min3A_554 [1] : vector<128x144xf32> to vector<128xf32>
        %broadcast_in_dim3A_556 = vector.shape_cast %reduce_min3A_555 : vector<128xf32> to vector<128x1xf32>
        %eq3A_557 = vector.broadcast %broadcast_in_dim3A_556 : vector<128x1xf32> to vector<128x144xf32>
        %eq3A_558 = arith.cmpf oeq, %concatenate3A_429, %eq3A_557 : vector<128x144xf32>
        %and3A_559 = arith.andi %eq3A_550, %eq3A_558 : vector<128x144xi1>
        %jit3A_560 = arith.constant 0x7F800000 : f32
        %broadcast_in_dim3A_561 = vector.broadcast %jit3A_560 : f32 to vector<128x144xf32>
        %select_n3A_562 = arith.select %and3A_559, %broadcast_in_dim3A_561, %select_n3A_543 : vector<128x144xi1>, vector<128x144xf32>
        %slice3A_563 = vector.extract_strided_slice %and3A_559 {offsets = [0, 16], sizes = [128, 128], strides = [1, 1]} : vector<128x144xi1> to vector<128x128xi1>
        %or3A_564 = arith.ori %or3A_545, %slice3A_563 : vector<128x128xi1>
        %reduce_min3A_565 = arith.constant dense<0x7F800000> : vector<128xf32>
        %reduce_min3A_566 = vector.multi_reduction <minimumf>, %select_n3A_562, %reduce_min3A_565 [1] : vector<128x144xf32> to vector<128xf32>
        %broadcast_in_dim3A_567 = vector.shape_cast %reduce_min3A_566 : vector<128xf32> to vector<128x1xf32>
        %eq3A_568 = vector.broadcast %broadcast_in_dim3A_567 : vector<128x1xf32> to vector<128x144xf32>
        %eq3A_569 = arith.cmpf oeq, %select_n3A_562, %eq3A_568 : vector<128x144xf32>
        %jit3A_570 = arith.constant 1.07374182E+9 : f32
        %broadcast_in_dim3A_571 = vector.broadcast %jit3A_570 : f32 to vector<128x144xf32>
        %select_n3A_572 = arith.select %eq3A_569, %concatenate3A_429, %broadcast_in_dim3A_571 : vector<128x144xi1>, vector<128x144xf32>
        %reduce_min3A_573 = arith.constant dense<0x7F800000> : vector<128xf32>
        %reduce_min3A_574 = vector.multi_reduction <minimumf>, %select_n3A_572, %reduce_min3A_573 [1] : vector<128x144xf32> to vector<128xf32>
        %broadcast_in_dim3A_575 = vector.shape_cast %reduce_min3A_574 : vector<128xf32> to vector<128x1xf32>
        %eq3A_576 = vector.broadcast %broadcast_in_dim3A_575 : vector<128x1xf32> to vector<128x144xf32>
        %eq3A_577 = arith.cmpf oeq, %concatenate3A_429, %eq3A_576 : vector<128x144xf32>
        %and3A_578 = arith.andi %eq3A_569, %eq3A_577 : vector<128x144xi1>
        %jit3A_579 = arith.constant 0x7F800000 : f32
        %broadcast_in_dim3A_580 = vector.broadcast %jit3A_579 : f32 to vector<128x144xf32>
        %select_n3A_581 = arith.select %and3A_578, %broadcast_in_dim3A_580, %select_n3A_562 : vector<128x144xi1>, vector<128x144xf32>
        %slice3A_582 = vector.extract_strided_slice %and3A_578 {offsets = [0, 16], sizes = [128, 128], strides = [1, 1]} : vector<128x144xi1> to vector<128x128xi1>
        %or3A_583 = arith.ori %or3A_564, %slice3A_582 : vector<128x128xi1>
        %reduce_min3A_584 = arith.constant dense<0x7F800000> : vector<128xf32>
        %reduce_min3A_585 = vector.multi_reduction <minimumf>, %select_n3A_581, %reduce_min3A_584 [1] : vector<128x144xf32> to vector<128xf32>
        %broadcast_in_dim3A_586 = vector.shape_cast %reduce_min3A_585 : vector<128xf32> to vector<128x1xf32>
        %eq3A_587 = vector.broadcast %broadcast_in_dim3A_586 : vector<128x1xf32> to vector<128x144xf32>
        %eq3A_588 = arith.cmpf oeq, %select_n3A_581, %eq3A_587 : vector<128x144xf32>
        %jit3A_589 = arith.constant 1.07374182E+9 : f32
        %broadcast_in_dim3A_590 = vector.broadcast %jit3A_589 : f32 to vector<128x144xf32>
        %select_n3A_591 = arith.select %eq3A_588, %concatenate3A_429, %broadcast_in_dim3A_590 : vector<128x144xi1>, vector<128x144xf32>
        %reduce_min3A_592 = arith.constant dense<0x7F800000> : vector<128xf32>
        %reduce_min3A_593 = vector.multi_reduction <minimumf>, %select_n3A_591, %reduce_min3A_592 [1] : vector<128x144xf32> to vector<128xf32>
        %broadcast_in_dim3A_594 = vector.shape_cast %reduce_min3A_593 : vector<128xf32> to vector<128x1xf32>
        %eq3A_595 = vector.broadcast %broadcast_in_dim3A_594 : vector<128x1xf32> to vector<128x144xf32>
        %eq3A_596 = arith.cmpf oeq, %concatenate3A_429, %eq3A_595 : vector<128x144xf32>
        %and3A_597 = arith.andi %eq3A_588, %eq3A_596 : vector<128x144xi1>
        %jit3A_598 = arith.constant 0x7F800000 : f32
        %broadcast_in_dim3A_599 = vector.broadcast %jit3A_598 : f32 to vector<128x144xf32>
        %select_n3A_600 = arith.select %and3A_597, %broadcast_in_dim3A_599, %select_n3A_581 : vector<128x144xi1>, vector<128x144xf32>
        %slice3A_601 = vector.extract_strided_slice %and3A_597 {offsets = [0, 16], sizes = [128, 128], strides = [1, 1]} : vector<128x144xi1> to vector<128x128xi1>
        %or3A_602 = arith.ori %or3A_583, %slice3A_601 : vector<128x128xi1>
        %reduce_min3A_603 = arith.constant dense<0x7F800000> : vector<128xf32>
        %reduce_min3A_604 = vector.multi_reduction <minimumf>, %select_n3A_600, %reduce_min3A_603 [1] : vector<128x144xf32> to vector<128xf32>
        %broadcast_in_dim3A_605 = vector.shape_cast %reduce_min3A_604 : vector<128xf32> to vector<128x1xf32>
        %eq3A_606 = vector.broadcast %broadcast_in_dim3A_605 : vector<128x1xf32> to vector<128x144xf32>
        %eq3A_607 = arith.cmpf oeq, %select_n3A_600, %eq3A_606 : vector<128x144xf32>
        %jit3A_608 = arith.constant 1.07374182E+9 : f32
        %broadcast_in_dim3A_609 = vector.broadcast %jit3A_608 : f32 to vector<128x144xf32>
        %select_n3A_610 = arith.select %eq3A_607, %concatenate3A_429, %broadcast_in_dim3A_609 : vector<128x144xi1>, vector<128x144xf32>
        %reduce_min3A_611 = arith.constant dense<0x7F800000> : vector<128xf32>
        %reduce_min3A_612 = vector.multi_reduction <minimumf>, %select_n3A_610, %reduce_min3A_611 [1] : vector<128x144xf32> to vector<128xf32>
        %broadcast_in_dim3A_613 = vector.shape_cast %reduce_min3A_612 : vector<128xf32> to vector<128x1xf32>
        %eq3A_614 = vector.broadcast %broadcast_in_dim3A_613 : vector<128x1xf32> to vector<128x144xf32>
        %eq3A_615 = arith.cmpf oeq, %concatenate3A_429, %eq3A_614 : vector<128x144xf32>
        %and3A_616 = arith.andi %eq3A_607, %eq3A_615 : vector<128x144xi1>
        %jit3A_617 = arith.constant 0x7F800000 : f32
        %broadcast_in_dim3A_618 = vector.broadcast %jit3A_617 : f32 to vector<128x144xf32>
        %select_n3A_619 = arith.select %and3A_616, %broadcast_in_dim3A_618, %select_n3A_600 : vector<128x144xi1>, vector<128x144xf32>
        %slice3A_620 = vector.extract_strided_slice %and3A_616 {offsets = [0, 16], sizes = [128, 128], strides = [1, 1]} : vector<128x144xi1> to vector<128x128xi1>
        %or3A_621 = arith.ori %or3A_602, %slice3A_620 : vector<128x128xi1>
        %reduce_min3A_622 = arith.constant dense<0x7F800000> : vector<128xf32>
        %reduce_min3A_623 = vector.multi_reduction <minimumf>, %select_n3A_619, %reduce_min3A_622 [1] : vector<128x144xf32> to vector<128xf32>
        %broadcast_in_dim3A_624 = vector.shape_cast %reduce_min3A_623 : vector<128xf32> to vector<128x1xf32>
        %eq3A_625 = vector.broadcast %broadcast_in_dim3A_624 : vector<128x1xf32> to vector<128x144xf32>
        %eq3A_626 = arith.cmpf oeq, %select_n3A_619, %eq3A_625 : vector<128x144xf32>
        %jit3A_627 = arith.constant 1.07374182E+9 : f32
        %broadcast_in_dim3A_628 = vector.broadcast %jit3A_627 : f32 to vector<128x144xf32>
        %select_n3A_629 = arith.select %eq3A_626, %concatenate3A_429, %broadcast_in_dim3A_628 : vector<128x144xi1>, vector<128x144xf32>
        %reduce_min3A_630 = arith.constant dense<0x7F800000> : vector<128xf32>
        %reduce_min3A_631 = vector.multi_reduction <minimumf>, %select_n3A_629, %reduce_min3A_630 [1] : vector<128x144xf32> to vector<128xf32>
        %broadcast_in_dim3A_632 = vector.shape_cast %reduce_min3A_631 : vector<128xf32> to vector<128x1xf32>
        %eq3A_633 = vector.broadcast %broadcast_in_dim3A_632 : vector<128x1xf32> to vector<128x144xf32>
        %eq3A_634 = arith.cmpf oeq, %concatenate3A_429, %eq3A_633 : vector<128x144xf32>
        %and3A_635 = arith.andi %eq3A_626, %eq3A_634 : vector<128x144xi1>
        %jit3A_636 = arith.constant 0x7F800000 : f32
        %broadcast_in_dim3A_637 = vector.broadcast %jit3A_636 : f32 to vector<128x144xf32>
        %select_n3A_638 = arith.select %and3A_635, %broadcast_in_dim3A_637, %select_n3A_619 : vector<128x144xi1>, vector<128x144xf32>
        %slice3A_639 = vector.extract_strided_slice %and3A_635 {offsets = [0, 16], sizes = [128, 128], strides = [1, 1]} : vector<128x144xi1> to vector<128x128xi1>
        %or3A_640 = arith.ori %or3A_621, %slice3A_639 : vector<128x128xi1>
        %reduce_min3A_641 = arith.constant dense<0x7F800000> : vector<128xf32>
        %reduce_min3A_642 = vector.multi_reduction <minimumf>, %select_n3A_638, %reduce_min3A_641 [1] : vector<128x144xf32> to vector<128xf32>
        %broadcast_in_dim3A_643 = vector.shape_cast %reduce_min3A_642 : vector<128xf32> to vector<128x1xf32>
        %eq3A_644 = vector.broadcast %broadcast_in_dim3A_643 : vector<128x1xf32> to vector<128x144xf32>
        %eq3A_645 = arith.cmpf oeq, %select_n3A_638, %eq3A_644 : vector<128x144xf32>
        %jit3A_646 = arith.constant 1.07374182E+9 : f32
        %broadcast_in_dim3A_647 = vector.broadcast %jit3A_646 : f32 to vector<128x144xf32>
        %select_n3A_648 = arith.select %eq3A_645, %concatenate3A_429, %broadcast_in_dim3A_647 : vector<128x144xi1>, vector<128x144xf32>
        %reduce_min3A_649 = arith.constant dense<0x7F800000> : vector<128xf32>
        %reduce_min3A_650 = vector.multi_reduction <minimumf>, %select_n3A_648, %reduce_min3A_649 [1] : vector<128x144xf32> to vector<128xf32>
        %broadcast_in_dim3A_651 = vector.shape_cast %reduce_min3A_650 : vector<128xf32> to vector<128x1xf32>
        %eq3A_652 = vector.broadcast %broadcast_in_dim3A_651 : vector<128x1xf32> to vector<128x144xf32>
        %eq3A_653 = arith.cmpf oeq, %concatenate3A_429, %eq3A_652 : vector<128x144xf32>
        %and3A_654 = arith.andi %eq3A_645, %eq3A_653 : vector<128x144xi1>
        %jit3A_655 = arith.constant 0x7F800000 : f32
        %broadcast_in_dim3A_656 = vector.broadcast %jit3A_655 : f32 to vector<128x144xf32>
        %select_n3A_657 = arith.select %and3A_654, %broadcast_in_dim3A_656, %select_n3A_638 : vector<128x144xi1>, vector<128x144xf32>
        %slice3A_658 = vector.extract_strided_slice %and3A_654 {offsets = [0, 16], sizes = [128, 128], strides = [1, 1]} : vector<128x144xi1> to vector<128x128xi1>
        %or3A_659 = arith.ori %or3A_640, %slice3A_658 : vector<128x128xi1>
        %reduce_min3A_660 = arith.constant dense<0x7F800000> : vector<128xf32>
        %reduce_min3A_661 = vector.multi_reduction <minimumf>, %select_n3A_657, %reduce_min3A_660 [1] : vector<128x144xf32> to vector<128xf32>
        %broadcast_in_dim3A_662 = vector.shape_cast %reduce_min3A_661 : vector<128xf32> to vector<128x1xf32>
        %eq3A_663 = vector.broadcast %broadcast_in_dim3A_662 : vector<128x1xf32> to vector<128x144xf32>
        %eq3A_664 = arith.cmpf oeq, %select_n3A_657, %eq3A_663 : vector<128x144xf32>
        %jit3A_665 = arith.constant 1.07374182E+9 : f32
        %broadcast_in_dim3A_666 = vector.broadcast %jit3A_665 : f32 to vector<128x144xf32>
        %select_n3A_667 = arith.select %eq3A_664, %concatenate3A_429, %broadcast_in_dim3A_666 : vector<128x144xi1>, vector<128x144xf32>
        %reduce_min3A_668 = arith.constant dense<0x7F800000> : vector<128xf32>
        %reduce_min3A_669 = vector.multi_reduction <minimumf>, %select_n3A_667, %reduce_min3A_668 [1] : vector<128x144xf32> to vector<128xf32>
        %broadcast_in_dim3A_670 = vector.shape_cast %reduce_min3A_669 : vector<128xf32> to vector<128x1xf32>
        %eq3A_671 = vector.broadcast %broadcast_in_dim3A_670 : vector<128x1xf32> to vector<128x144xf32>
        %eq3A_672 = arith.cmpf oeq, %concatenate3A_429, %eq3A_671 : vector<128x144xf32>
        %and3A_673 = arith.andi %eq3A_664, %eq3A_672 : vector<128x144xi1>
        %jit3A_674 = arith.constant 0x7F800000 : f32
        %broadcast_in_dim3A_675 = vector.broadcast %jit3A_674 : f32 to vector<128x144xf32>
        %select_n3A_676 = arith.select %and3A_673, %broadcast_in_dim3A_675, %select_n3A_657 : vector<128x144xi1>, vector<128x144xf32>
        %slice3A_677 = vector.extract_strided_slice %and3A_673 {offsets = [0, 16], sizes = [128, 128], strides = [1, 1]} : vector<128x144xi1> to vector<128x128xi1>
        %or3A_678 = arith.ori %or3A_659, %slice3A_677 : vector<128x128xi1>
        %reduce_min3A_679 = arith.constant dense<0x7F800000> : vector<128xf32>
        %reduce_min3A_680 = vector.multi_reduction <minimumf>, %select_n3A_676, %reduce_min3A_679 [1] : vector<128x144xf32> to vector<128xf32>
        %broadcast_in_dim3A_681 = vector.shape_cast %reduce_min3A_680 : vector<128xf32> to vector<128x1xf32>
        %eq3A_682 = vector.broadcast %broadcast_in_dim3A_681 : vector<128x1xf32> to vector<128x144xf32>
        %eq3A_683 = arith.cmpf oeq, %select_n3A_676, %eq3A_682 : vector<128x144xf32>
        %jit3A_684 = arith.constant 1.07374182E+9 : f32
        %broadcast_in_dim3A_685 = vector.broadcast %jit3A_684 : f32 to vector<128x144xf32>
        %select_n3A_686 = arith.select %eq3A_683, %concatenate3A_429, %broadcast_in_dim3A_685 : vector<128x144xi1>, vector<128x144xf32>
        %reduce_min3A_687 = arith.constant dense<0x7F800000> : vector<128xf32>
        %reduce_min3A_688 = vector.multi_reduction <minimumf>, %select_n3A_686, %reduce_min3A_687 [1] : vector<128x144xf32> to vector<128xf32>
        %broadcast_in_dim3A_689 = vector.shape_cast %reduce_min3A_688 : vector<128xf32> to vector<128x1xf32>
        %eq3A_690 = vector.broadcast %broadcast_in_dim3A_689 : vector<128x1xf32> to vector<128x144xf32>
        %eq3A_691 = arith.cmpf oeq, %concatenate3A_429, %eq3A_690 : vector<128x144xf32>
        %and3A_692 = arith.andi %eq3A_683, %eq3A_691 : vector<128x144xi1>
        %jit3A_693 = arith.constant 0x7F800000 : f32
        %broadcast_in_dim3A_694 = vector.broadcast %jit3A_693 : f32 to vector<128x144xf32>
        %select_n3A_695 = arith.select %and3A_692, %broadcast_in_dim3A_694, %select_n3A_676 : vector<128x144xi1>, vector<128x144xf32>
        %slice3A_696 = vector.extract_strided_slice %and3A_692 {offsets = [0, 16], sizes = [128, 128], strides = [1, 1]} : vector<128x144xi1> to vector<128x128xi1>
        %or3A_697 = arith.ori %or3A_678, %slice3A_696 : vector<128x128xi1>
        %reduce_min3A_698 = arith.constant dense<0x7F800000> : vector<128xf32>
        %reduce_min3A_699 = vector.multi_reduction <minimumf>, %select_n3A_695, %reduce_min3A_698 [1] : vector<128x144xf32> to vector<128xf32>
        %broadcast_in_dim3A_700 = vector.shape_cast %reduce_min3A_699 : vector<128xf32> to vector<128x1xf32>
        %eq3A_701 = vector.broadcast %broadcast_in_dim3A_700 : vector<128x1xf32> to vector<128x144xf32>
        %eq3A_702 = arith.cmpf oeq, %select_n3A_695, %eq3A_701 : vector<128x144xf32>
        %jit3A_703 = arith.constant 1.07374182E+9 : f32
        %broadcast_in_dim3A_704 = vector.broadcast %jit3A_703 : f32 to vector<128x144xf32>
        %select_n3A_705 = arith.select %eq3A_702, %concatenate3A_429, %broadcast_in_dim3A_704 : vector<128x144xi1>, vector<128x144xf32>
        %reduce_min3A_706 = arith.constant dense<0x7F800000> : vector<128xf32>
        %reduce_min3A_707 = vector.multi_reduction <minimumf>, %select_n3A_705, %reduce_min3A_706 [1] : vector<128x144xf32> to vector<128xf32>
        %broadcast_in_dim3A_708 = vector.shape_cast %reduce_min3A_707 : vector<128xf32> to vector<128x1xf32>
        %eq3A_709 = vector.broadcast %broadcast_in_dim3A_708 : vector<128x1xf32> to vector<128x144xf32>
        %eq3A_710 = arith.cmpf oeq, %concatenate3A_429, %eq3A_709 : vector<128x144xf32>
        %and3A_711 = arith.andi %eq3A_702, %eq3A_710 : vector<128x144xi1>
        %jit3A_712 = arith.constant 0x7F800000 : f32
        %broadcast_in_dim3A_713 = vector.broadcast %jit3A_712 : f32 to vector<128x144xf32>
        %select_n3A_714 = arith.select %and3A_711, %broadcast_in_dim3A_713, %select_n3A_695 : vector<128x144xi1>, vector<128x144xf32>
        %slice3A_715 = vector.extract_strided_slice %and3A_711 {offsets = [0, 16], sizes = [128, 128], strides = [1, 1]} : vector<128x144xi1> to vector<128x128xi1>
        %or3A_716 = arith.ori %or3A_697, %slice3A_715 : vector<128x128xi1>
        %reduce_min3A_717 = arith.constant dense<0x7F800000> : vector<128xf32>
        %reduce_min3A_718 = vector.multi_reduction <minimumf>, %select_n3A_714, %reduce_min3A_717 [1] : vector<128x144xf32> to vector<128xf32>
        %broadcast_in_dim3A_719 = vector.shape_cast %reduce_min3A_718 : vector<128xf32> to vector<128x1xf32>
        %eq3A_720 = vector.broadcast %broadcast_in_dim3A_719 : vector<128x1xf32> to vector<128x144xf32>
        %eq3A_721 = arith.cmpf oeq, %select_n3A_714, %eq3A_720 : vector<128x144xf32>
        %jit3A_722 = arith.constant 1.07374182E+9 : f32
        %broadcast_in_dim3A_723 = vector.broadcast %jit3A_722 : f32 to vector<128x144xf32>
        %select_n3A_724 = arith.select %eq3A_721, %concatenate3A_429, %broadcast_in_dim3A_723 : vector<128x144xi1>, vector<128x144xf32>
        %reduce_min3A_725 = arith.constant dense<0x7F800000> : vector<128xf32>
        %reduce_min3A_726 = vector.multi_reduction <minimumf>, %select_n3A_724, %reduce_min3A_725 [1] : vector<128x144xf32> to vector<128xf32>
        %broadcast_in_dim3A_727 = vector.shape_cast %reduce_min3A_726 : vector<128xf32> to vector<128x1xf32>
        %eq3A_728 = vector.broadcast %broadcast_in_dim3A_727 : vector<128x1xf32> to vector<128x144xf32>
        %eq3A_729 = arith.cmpf oeq, %concatenate3A_429, %eq3A_728 : vector<128x144xf32>
        %and3A_730 = arith.andi %eq3A_721, %eq3A_729 : vector<128x144xi1>
        %slice3A_731 = vector.extract_strided_slice %and3A_730 {offsets = [0, 16], sizes = [128, 128], strides = [1, 1]} : vector<128x144xi1> to vector<128x128xi1>
        %or3A_732 = arith.ori %or3A_716, %slice3A_731 : vector<128x128xi1>
        %concatenate3A_733 = tpu.concatenate %broadcast_in_dim3A_434, %broadcast_in_dim3A_453, %broadcast_in_dim3A_472, %broadcast_in_dim3A_491, %broadcast_in_dim3A_510, %broadcast_in_dim3A_529, %broadcast_in_dim3A_548, %broadcast_in_dim3A_567, %broadcast_in_dim3A_586, %broadcast_in_dim3A_605, %broadcast_in_dim3A_624, %broadcast_in_dim3A_643, %broadcast_in_dim3A_662, %broadcast_in_dim3A_681, %broadcast_in_dim3A_700, %broadcast_in_dim3A_719 in 1 : vector<128x1xf32>, vector<128x1xf32>, vector<128x1xf32>, vector<128x1xf32>, vector<128x1xf32>, vector<128x1xf32>, vector<128x1xf32>, vector<128x1xf32>, vector<128x1xf32>, vector<128x1xf32>, vector<128x1xf32>, vector<128x1xf32>, vector<128x1xf32>, vector<128x1xf32>, vector<128x1xf32>, vector<128x1xf32> -> vector<128x16xf32>
        %concatenate3A_734 = tpu.concatenate %broadcast_in_dim3A_442, %broadcast_in_dim3A_461, %broadcast_in_dim3A_480, %broadcast_in_dim3A_499, %broadcast_in_dim3A_518, %broadcast_in_dim3A_537, %broadcast_in_dim3A_556, %broadcast_in_dim3A_575, %broadcast_in_dim3A_594, %broadcast_in_dim3A_613, %broadcast_in_dim3A_632, %broadcast_in_dim3A_651, %broadcast_in_dim3A_670, %broadcast_in_dim3A_689, %broadcast_in_dim3A_708, %broadcast_in_dim3A_727 in 1 : vector<128x1xf32>, vector<128x1xf32>, vector<128x1xf32>, vector<128x1xf32>, vector<128x1xf32>, vector<128x1xf32>, vector<128x1xf32>, vector<128x1xf32>, vector<128x1xf32>, vector<128x1xf32>, vector<128x1xf32>, vector<128x1xf32>, vector<128x1xf32>, vector<128x1xf32>, vector<128x1xf32>, vector<128x1xf32> -> vector<128x16xf32>
        %select_n3A_735 = arith.select %or3A_732, %scan3A_398#0, %scan3A_388 : vector<128x128xi1>, vector<128x128xf32>
        %select_n3A_736 = arith.select %or3A_732, %scan3A_398#1, %scan3A_389 : vector<128x128xi1>, vector<128x128xi32>
        %convert_element_type3A_737 = arith.extui %or3A_732 : vector<128x128xi1> to vector<128x128xi32>
        %reduce_sum3A_738 = vector.shape_cast %convert_element_type3A_737 : vector<128x128xi32> to vector<1x128x128xi32>
        %reduce_sum3A_739 = arith.constant dense<0> : vector<1xi32>
        %reduce_sum3A_740 = vector.multi_reduction <add>, %reduce_sum3A_738, %reduce_sum3A_739 [1, 2] : vector<1x128x128xi32> to vector<1xi32>
        %reduce_sum3A_741 = vector.shape_cast %reduce_sum3A_740 : vector<1xi32> to vector<1x1x1xi32>
        %reduce_sum3A_742 = vector.extract %reduce_sum3A_741[0, 0, 0] : i32 from vector<1x1x1xi32>
        %eq3A_743 = arith.constant 0 : i32
        %eq3A_744 = arith.cmpi eq, %reduce_sum3A_742, %eq3A_743 : i32
        scf.yield %concatenate3A_733, %concatenate3A_734, %select_n3A_735, %select_n3A_736, %eq3A_744 : vector<128x16xf32>, vector<128x16xf32>, vector<128x128xf32>, vector<128x128xi32>, i1
      }
      scf.yield %cond3A_393#0, %cond3A_393#1, %cond3A_393#2, %cond3A_393#3, %cond3A_393#4 : vector<128x16xf32>, vector<128x16xf32>, vector<128x128xf32>, vector<128x128xi32>, i1
    }
    %jit3A_376 = arith.constant 0 : i32
    %jit3A_377 = arith.constant 9999 : i32
    %convert_element_type3A_378 = arith.sitofp %jit3A_376 : i32 to f32
    %max3A = vector.broadcast %convert_element_type3A_378 : f32 to vector<128x16xf32>
    %max3A_379 = arith.maximumf %max3A, %scan3A_375#1 : vector<128x16xf32>
    %convert_element_type3A_380 = arith.sitofp %jit3A_377 : i32 to f32
    %min3A = vector.broadcast %convert_element_type3A_380 : f32 to vector<128x16xf32>
    %min3A_381 = arith.minimumf %min3A, %max3A_379 : vector<128x16xf32>
    %convert_element_type3A_382 = arith.fptosi %min3A_381 : vector<128x16xf32> to vector<128x16xi32>
    %swap3A = arith.constant 0 : index
    %swap3A_383 = arith.constant 0 : index
    %swap3A_384 = vector.load %arg3[%swap3A, %swap3A_383] : memref<128x16xi32, #tpu.memory_space<vmem>>, vector<128x16xi32>
    tpu.vector_store %arg3[%swap3A, %swap3A_383], %convert_element_type3A_382 {strides = array<i32>} : memref<128x16xi32, #tpu.memory_space<vmem>>, vector<128x16xi32>,
    return
  }
  func.func @transform_0(%arg0: i32) -> (i32, i32) {
    %c0_i32 = arith.constant 0 : i32
    %c0_i32_0 = arith.constant 0 : i32
    %c0_i32_1 = arith.constant 0 : i32
    return %c0_i32, %c0_i32_0 : i32, i32
  }
  func.func @transform_1(%arg0: i32) -> (i32, i32) {
    %c0_i32 = arith.constant 0 : i32
    %c0_i32_0 = arith.constant 0 : i32
    return %arg0, %c0_i32 : i32, i32
  }
  func.func @transform_2(%arg0: i32) -> (i32, i32) {
    %c0_i32 = arith.constant 0 : i32
    %c0_i32_0 = arith.constant 0 : i32
    return %arg0, %c0_i32 : i32, i32
  }
}

module attributes {stable_mosaic.version = 14 : i64} {
  func.func @_agg_body(%arg0: i32, %arg1: memref<2048x128xf32, #tpu.memory_space<vmem>>, %arg2: memref<2048x128xf32, #tpu.memory_space<vmem>>, %arg3: memref<128x16xf32, #tpu.memory_space<vmem>>, %arg4: memref<32x16xf32, #tpu.memory_space<vmem>>, %arg5: memref<15x128x128xf32, #tpu.memory_space<vmem>>, %arg6: memref<1x128xf32, #tpu.memory_space<vmem>>, %arg7: memref<128x128xf32, #tpu.memory_space<vmem>>) attributes {dimension_semantics = [#tpu.dimension_semantics<arbitrary>], iteration_bounds = array<i64: 80>, scalar_prefetch = 0 : i64, scratch_operands = 0 : i64, tpu.core_type = #tpu.core_type<tc>, window_params = [{transform_indices = @transform_0, window_bounds = array<i64: 2048, 128>}, {transform_indices = @transform_1, window_bounds = array<i64: 2048, 128>}, {transform_indices = @transform_2, window_bounds = array<i64: 128, 16>}, {pipeline_mode = #tpu.pipeline_mode<synchronous>, transform_indices = @transform_3, window_bounds = array<i64: 32, 16>}, {pipeline_mode = #tpu.pipeline_mode<synchronous>, transform_indices = @transform_4, window_bounds = array<i64: 15, 128, 128>}, {pipeline_mode = #tpu.pipeline_mode<synchronous>, transform_indices = @transform_5, window_bounds = array<i64: 1, 128>}, {transform_indices = @transform_6, window_bounds = array<i64: 128, 128>}]} {
    %get3A = arith.constant 0 : index
    %get3A_0 = arith.constant 0 : index
    %get3A_1 = vector.load %arg1[%get3A, %get3A_0] : memref<2048x128xf32, #tpu.memory_space<vmem>>, vector<2048x128xf32>
    %get3A_2 = arith.constant 0 : index
    %get3A_3 = arith.constant 0 : index
    %get3A_4 = vector.load %arg2[%get3A_2, %get3A_3] : memref<2048x128xf32, #tpu.memory_space<vmem>>, vector<2048x16xf32>
    %get3A_5 = arith.constant 0 : index
    %get3A_6 = arith.constant 0 : index
    %get3A_7 = vector.load %arg3[%get3A_5, %get3A_6] : memref<128x16xf32, #tpu.memory_space<vmem>>, vector<128x16xf32>
    %iota3A = tpu.iota {dimensions = array<i32: 0>} : vector<2048x128xi32>
    %jit3A = arith.constant 16 : i32
    %div3A = vector.broadcast %jit3A : i32 to vector<2048x128xi32>
    %div3A_8 = arith.divsi %iota3A, %div3A : vector<2048x128xi32>
    %sign3A = arith.constant 0 : i32
    %sign3A_9 = vector.broadcast %sign3A : i32 to vector<2048x128xi32>
    %sign3A_10 = arith.cmpi sgt, %iota3A, %sign3A_9 : vector<2048x128xi32>
    %sign3A_11 = arith.extui %sign3A_10 : vector<2048x128xi1> to vector<2048x128xi32>
    %sign3A_12 = arith.constant 0 : i32
    %sign3A_13 = vector.broadcast %sign3A_12 : i32 to vector<2048x128xi32>
    %sign3A_14 = arith.cmpi slt, %iota3A, %sign3A_13 : vector<2048x128xi32>
    %sign3A_15 = arith.extui %sign3A_14 : vector<2048x128xi1> to vector<2048x128xi32>
    %sign3A_16 = arith.subi %sign3A_11, %sign3A_15 : vector<2048x128xi32>
    %sign3A_17 = arith.constant 0 : i32
    %sign3A_18 = arith.cmpi sgt, %jit3A, %sign3A_17 : i32
    %sign3A_19 = arith.extui %sign3A_18 : i1 to i32
    %sign3A_20 = arith.constant 0 : i32
    %sign3A_21 = arith.cmpi slt, %jit3A, %sign3A_20 : i32
    %sign3A_22 = arith.extui %sign3A_21 : i1 to i32
    %sign3A_23 = arith.subi %sign3A_19, %sign3A_22 : i32
    %ne3A = vector.broadcast %sign3A_23 : i32 to vector<2048x128xi32>
    %ne3A_24 = arith.cmpi ne, %sign3A_16, %ne3A : vector<2048x128xi32>
    %rem3A = vector.broadcast %jit3A : i32 to vector<2048x128xi32>
    %rem3A_25 = arith.remsi %iota3A, %rem3A : vector<2048x128xi32>
    %ne3A_26 = arith.constant 0 : i32
    %ne3A_27 = vector.broadcast %ne3A_26 : i32 to vector<2048x128xi32>
    %ne3A_28 = arith.cmpi ne, %rem3A_25, %ne3A_27 : vector<2048x128xi32>
    %and3A = arith.andi %ne3A_24, %ne3A_28 : vector<2048x128xi1>
    %sub3A = arith.constant 1 : i32
    %sub3A_29 = vector.broadcast %sub3A : i32 to vector<2048x128xi32>
    %sub3A_30 = arith.subi %div3A_8, %sub3A_29 : vector<2048x128xi32>
    %select_n3A = arith.select %and3A, %sub3A_30, %div3A_8 : vector<2048x128xi1>, vector<2048x128xi32>
    %iota3A_31 = tpu.iota {dimensions = array<i32: 1>} : vector<2048x128xi32>
    %eq3A = arith.cmpi eq, %select_n3A, %iota3A_31 : vector<2048x128xi32>
    %convert_element_type3A = arith.extui %eq3A : vector<2048x128xi1> to vector<2048x128xi32>
    %convert_element_type3A_32 = arith.sitofp %convert_element_type3A : vector<2048x128xi32> to vector<2048x128xf32>
    %dot_general3A = arith.constant dense<0.000000e+00> : vector<2048x16xf32>
    %dot_general3A_33 = tpu.matmul %convert_element_type3A_32, %get3A_7, %dot_general3A {dimension_numbers = #tpu.dot_dimension_numbers<[1], [0], [0], [1], [0, 0, 1, 1], [], []>, precision = #tpu.contract_precision<fp32>, transpose_lhs_hint = false} : vector<2048x128xf32>, vector<128x16xf32>, vector<2048x16xf32> -> vector<2048x16xf32>
    %sub3A_34 = arith.subf %get3A_4, %dot_general3A_33 : vector<2048x16xf32>
    %iota3A_35 = tpu.iota {dimensions = array<i32: 1>} : vector<2048x16xi32>
    %eq3A_36 = arith.constant 3 : i32
    %eq3A_37 = vector.broadcast %eq3A_36 : i32 to vector<2048x16xi32>
    %eq3A_38 = arith.cmpi eq, %iota3A_35, %eq3A_37 : vector<2048x16xi32>
    %jit3A_39 = arith.constant 1.000000e+00 : f32
    %broadcast_in_dim3A = vector.broadcast %jit3A_39 : f32 to vector<2048x16xf32>
    %select_n3A_40 = arith.select %eq3A_38, %broadcast_in_dim3A, %sub3A_34 : vector<2048x16xi1>, vector<2048x16xf32>
    %mul3A = arith.mulf %sub3A_34, %sub3A_34 : vector<2048x16xf32>
    %concatenate3A = tpu.concatenate %select_n3A_40, %mul3A in 1 : vector<2048x16xf32>, vector<2048x16xf32> -> vector<2048x32xf32>
    %get3A_41 = arith.constant 0 : index
    %get3A_42 = arith.constant 0 : index
    %get3A_43 = vector.load %arg4[%get3A_41, %get3A_42] : memref<32x16xf32, #tpu.memory_space<vmem>>, vector<32x16xf32>
    %dot_general3A_44 = arith.constant dense<0.000000e+00> : vector<2048x16xf32>
    %dot_general3A_45 = tpu.matmul %concatenate3A, %get3A_43, %dot_general3A_44 {dimension_numbers = #tpu.dot_dimension_numbers<[1], [0], [0], [1], [0, 0, 1, 1], [], []>, precision = #tpu.contract_precision<fp32>, transpose_lhs_hint = false} : vector<2048x32xf32>, vector<32x16xf32>, vector<2048x16xf32> -> vector<2048x16xf32>
    %mul3A_46 = arith.constant -1.000000e+02 : f32
    %mul3A_47 = vector.broadcast %mul3A_46 : f32 to vector<2048x16xf32>
    %mul3A_48 = arith.mulf %dot_general3A_45, %mul3A_47 : vector<2048x16xf32>
    %exp3A = math.exp %mul3A_48 : vector<2048x16xf32>
    %iota3A_49 = tpu.iota {dimensions = array<i32: 0>} : vector<16x128xi32>
    %broadcast_in_dim3A_50 = arith.constant 0.000000e+00 : f32
    %broadcast_in_dim3A_51 = vector.broadcast %broadcast_in_dim3A_50 : f32 to vector<128x128xf32>
    %eq3A_52 = arith.constant 0 : i32
    %eq3A_53 = vector.broadcast %eq3A_52 : i32 to vector<16x128xi32>
    %eq3A_54 = arith.cmpi eq, %iota3A_49, %eq3A_53 : vector<16x128xi32>
    %convert_element_type3A_55 = arith.extui %eq3A_54 : vector<16x128xi1> to vector<16x128xi32>
    %convert_element_type3A_56 = arith.sitofp %convert_element_type3A_55 : vector<16x128xi32> to vector<16x128xf32>
    %dot_general3A_57 = arith.constant dense<0.000000e+00> : vector<2048x128xf32>
    %dot_general3A_58 = tpu.matmul %exp3A, %convert_element_type3A_56, %dot_general3A_57 {dimension_numbers = #tpu.dot_dimension_numbers<[1], [0], [0], [1], [0, 0, 1, 1], [], []>, transpose_lhs_hint = false} : vector<2048x16xf32>, vector<16x128xf32>, vector<2048x128xf32> -> vector<2048x128xf32>
    %mul3A_59 = arith.mulf %dot_general3A_58, %get3A_1 : vector<2048x128xf32>
    %reshape3A = vector.shape_cast %mul3A_59 : vector<2048x128xf32> to vector<128x16x128xf32>
    %slice3A = vector.extract_strided_slice %reshape3A {offsets = [0, 0, 0], sizes = [128, 8, 128], strides = [1, 1, 1]} : vector<128x16x128xf32> to vector<128x8x128xf32>
    %slice3A_60 = vector.extract_strided_slice %reshape3A {offsets = [0, 8, 0], sizes = [128, 8, 128], strides = [1, 1, 1]} : vector<128x16x128xf32> to vector<128x8x128xf32>
    %add3A = arith.addf %slice3A, %slice3A_60 : vector<128x8x128xf32>
    %slice3A_61 = vector.extract_strided_slice %add3A {offsets = [0, 0, 0], sizes = [128, 4, 128], strides = [1, 1, 1]} : vector<128x8x128xf32> to vector<128x4x128xf32>
    %slice3A_62 = vector.extract_strided_slice %add3A {offsets = [0, 4, 0], sizes = [128, 4, 128], strides = [1, 1, 1]} : vector<128x8x128xf32> to vector<128x4x128xf32>
    %add3A_63 = arith.addf %slice3A_61, %slice3A_62 : vector<128x4x128xf32>
    %slice3A_64 = vector.extract_strided_slice %add3A_63 {offsets = [0, 0, 0], sizes = [128, 2, 128], strides = [1, 1, 1]} : vector<128x4x128xf32> to vector<128x2x128xf32>
    %slice3A_65 = vector.extract_strided_slice %add3A_63 {offsets = [0, 2, 0], sizes = [128, 2, 128], strides = [1, 1, 1]} : vector<128x4x128xf32> to vector<128x2x128xf32>
    %add3A_66 = arith.addf %slice3A_64, %slice3A_65 : vector<128x2x128xf32>
    %slice3A_67 = vector.extract_strided_slice %add3A_66 {offsets = [0, 0, 0], sizes = [128, 1, 128], strides = [1, 1, 1]} : vector<128x2x128xf32> to vector<128x1x128xf32>
    %slice3A_68 = vector.extract_strided_slice %add3A_66 {offsets = [0, 1, 0], sizes = [128, 1, 128], strides = [1, 1, 1]} : vector<128x2x128xf32> to vector<128x1x128xf32>
    %add3A_69 = arith.addf %slice3A_67, %slice3A_68 : vector<128x1x128xf32>
    %reshape3A_70 = vector.shape_cast %add3A_69 : vector<128x1x128xf32> to vector<128x128xf32>
    %get3A_71 = arith.constant 0 : index
    %get3A_72 = arith.constant 0 : index
    %get3A_73 = arith.constant 0 : index
    %get3A_74 = vector.load %arg5[%get3A_71, %get3A_72, %get3A_73] : memref<15x128x128xf32, #tpu.memory_space<vmem>>, vector<1x128x128xf32>
    %get3A_75 = vector.shape_cast %get3A_74 : vector<1x128x128xf32> to vector<128x128xf32>
    %dot_general3A_76 = arith.constant dense<0.000000e+00> : vector<128x128xf32>
    %dot_general3A_77 = tpu.matmul %reshape3A_70, %get3A_75, %dot_general3A_76 {dimension_numbers = #tpu.dot_dimension_numbers<[1], [0], [0], [1], [0, 0, 1, 1], [], []>, transpose_lhs_hint = false} : vector<128x128xf32>, vector<128x128xf32>, vector<128x128xf32> -> vector<128x128xf32>
    %add3A_78 = arith.addf %broadcast_in_dim3A_51, %dot_general3A_77 : vector<128x128xf32>
    %eq3A_79 = arith.constant 1 : i32
    %eq3A_80 = vector.broadcast %eq3A_79 : i32 to vector<16x128xi32>
    %eq3A_81 = arith.cmpi eq, %iota3A_49, %eq3A_80 : vector<16x128xi32>
    %convert_element_type3A_82 = arith.extui %eq3A_81 : vector<16x128xi1> to vector<16x128xi32>
    %convert_element_type3A_83 = arith.sitofp %convert_element_type3A_82 : vector<16x128xi32> to vector<16x128xf32>
    %dot_general3A_84 = arith.constant dense<0.000000e+00> : vector<2048x128xf32>
    %dot_general3A_85 = tpu.matmul %exp3A, %convert_element_type3A_83, %dot_general3A_84 {dimension_numbers = #tpu.dot_dimension_numbers<[1], [0], [0], [1], [0, 0, 1, 1], [], []>, transpose_lhs_hint = false} : vector<2048x16xf32>, vector<16x128xf32>, vector<2048x128xf32> -> vector<2048x128xf32>
    %mul3A_86 = arith.mulf %dot_general3A_85, %get3A_1 : vector<2048x128xf32>
    %reshape3A_87 = vector.shape_cast %mul3A_86 : vector<2048x128xf32> to vector<128x16x128xf32>
    %slice3A_88 = vector.extract_strided_slice %reshape3A_87 {offsets = [0, 0, 0], sizes = [128, 8, 128], strides = [1, 1, 1]} : vector<128x16x128xf32> to vector<128x8x128xf32>
    %slice3A_89 = vector.extract_strided_slice %reshape3A_87 {offsets = [0, 8, 0], sizes = [128, 8, 128], strides = [1, 1, 1]} : vector<128x16x128xf32> to vector<128x8x128xf32>
    %add3A_90 = arith.addf %slice3A_88, %slice3A_89 : vector<128x8x128xf32>
    %slice3A_91 = vector.extract_strided_slice %add3A_90 {offsets = [0, 0, 0], sizes = [128, 4, 128], strides = [1, 1, 1]} : vector<128x8x128xf32> to vector<128x4x128xf32>
    %slice3A_92 = vector.extract_strided_slice %add3A_90 {offsets = [0, 4, 0], sizes = [128, 4, 128], strides = [1, 1, 1]} : vector<128x8x128xf32> to vector<128x4x128xf32>
    %add3A_93 = arith.addf %slice3A_91, %slice3A_92 : vector<128x4x128xf32>
    %slice3A_94 = vector.extract_strided_slice %add3A_93 {offsets = [0, 0, 0], sizes = [128, 2, 128], strides = [1, 1, 1]} : vector<128x4x128xf32> to vector<128x2x128xf32>
    %slice3A_95 = vector.extract_strided_slice %add3A_93 {offsets = [0, 2, 0], sizes = [128, 2, 128], strides = [1, 1, 1]} : vector<128x4x128xf32> to vector<128x2x128xf32>
    %add3A_96 = arith.addf %slice3A_94, %slice3A_95 : vector<128x2x128xf32>
    %slice3A_97 = vector.extract_strided_slice %add3A_96 {offsets = [0, 0, 0], sizes = [128, 1, 128], strides = [1, 1, 1]} : vector<128x2x128xf32> to vector<128x1x128xf32>
    %slice3A_98 = vector.extract_strided_slice %add3A_96 {offsets = [0, 1, 0], sizes = [128, 1, 128], strides = [1, 1, 1]} : vector<128x2x128xf32> to vector<128x1x128xf32>
    %add3A_99 = arith.addf %slice3A_97, %slice3A_98 : vector<128x1x128xf32>
    %reshape3A_100 = vector.shape_cast %add3A_99 : vector<128x1x128xf32> to vector<128x128xf32>
    %get3A_101 = arith.constant 1 : index
    %get3A_102 = arith.constant 0 : index
    %get3A_103 = arith.constant 0 : index
    %get3A_104 = vector.load %arg5[%get3A_101, %get3A_102, %get3A_103] : memref<15x128x128xf32, #tpu.memory_space<vmem>>, vector<1x128x128xf32>
    %get3A_105 = vector.shape_cast %get3A_104 : vector<1x128x128xf32> to vector<128x128xf32>
    %dot_general3A_106 = arith.constant dense<0.000000e+00> : vector<128x128xf32>
    %dot_general3A_107 = tpu.matmul %reshape3A_100, %get3A_105, %dot_general3A_106 {dimension_numbers = #tpu.dot_dimension_numbers<[1], [0], [0], [1], [0, 0, 1, 1], [], []>, transpose_lhs_hint = false} : vector<128x128xf32>, vector<128x128xf32>, vector<128x128xf32> -> vector<128x128xf32>
    %add3A_108 = arith.addf %add3A_78, %dot_general3A_107 : vector<128x128xf32>
    %eq3A_109 = arith.constant 2 : i32
    %eq3A_110 = vector.broadcast %eq3A_109 : i32 to vector<16x128xi32>
    %eq3A_111 = arith.cmpi eq, %iota3A_49, %eq3A_110 : vector<16x128xi32>
    %convert_element_type3A_112 = arith.extui %eq3A_111 : vector<16x128xi1> to vector<16x128xi32>
    %convert_element_type3A_113 = arith.sitofp %convert_element_type3A_112 : vector<16x128xi32> to vector<16x128xf32>
    %dot_general3A_114 = arith.constant dense<0.000000e+00> : vector<2048x128xf32>
    %dot_general3A_115 = tpu.matmul %exp3A, %convert_element_type3A_113, %dot_general3A_114 {dimension_numbers = #tpu.dot_dimension_numbers<[1], [0], [0], [1], [0, 0, 1, 1], [], []>, transpose_lhs_hint = false} : vector<2048x16xf32>, vector<16x128xf32>, vector<2048x128xf32> -> vector<2048x128xf32>
    %mul3A_116 = arith.mulf %dot_general3A_115, %get3A_1 : vector<2048x128xf32>
    %reshape3A_117 = vector.shape_cast %mul3A_116 : vector<2048x128xf32> to vector<128x16x128xf32>
    %slice3A_118 = vector.extract_strided_slice %reshape3A_117 {offsets = [0, 0, 0], sizes = [128, 8, 128], strides = [1, 1, 1]} : vector<128x16x128xf32> to vector<128x8x128xf32>
    %slice3A_119 = vector.extract_strided_slice %reshape3A_117 {offsets = [0, 8, 0], sizes = [128, 8, 128], strides = [1, 1, 1]} : vector<128x16x128xf32> to vector<128x8x128xf32>
    %add3A_120 = arith.addf %slice3A_118, %slice3A_119 : vector<128x8x128xf32>
    %slice3A_121 = vector.extract_strided_slice %add3A_120 {offsets = [0, 0, 0], sizes = [128, 4, 128], strides = [1, 1, 1]} : vector<128x8x128xf32> to vector<128x4x128xf32>
    %slice3A_122 = vector.extract_strided_slice %add3A_120 {offsets = [0, 4, 0], sizes = [128, 4, 128], strides = [1, 1, 1]} : vector<128x8x128xf32> to vector<128x4x128xf32>
    %add3A_123 = arith.addf %slice3A_121, %slice3A_122 : vector<128x4x128xf32>
    %slice3A_124 = vector.extract_strided_slice %add3A_123 {offsets = [0, 0, 0], sizes = [128, 2, 128], strides = [1, 1, 1]} : vector<128x4x128xf32> to vector<128x2x128xf32>
    %slice3A_125 = vector.extract_strided_slice %add3A_123 {offsets = [0, 2, 0], sizes = [128, 2, 128], strides = [1, 1, 1]} : vector<128x4x128xf32> to vector<128x2x128xf32>
    %add3A_126 = arith.addf %slice3A_124, %slice3A_125 : vector<128x2x128xf32>
    %slice3A_127 = vector.extract_strided_slice %add3A_126 {offsets = [0, 0, 0], sizes = [128, 1, 128], strides = [1, 1, 1]} : vector<128x2x128xf32> to vector<128x1x128xf32>
    %slice3A_128 = vector.extract_strided_slice %add3A_126 {offsets = [0, 1, 0], sizes = [128, 1, 128], strides = [1, 1, 1]} : vector<128x2x128xf32> to vector<128x1x128xf32>
    %add3A_129 = arith.addf %slice3A_127, %slice3A_128 : vector<128x1x128xf32>
    %reshape3A_130 = vector.shape_cast %add3A_129 : vector<128x1x128xf32> to vector<128x128xf32>
    %get3A_131 = arith.constant 2 : index
    %get3A_132 = arith.constant 0 : index
    %get3A_133 = arith.constant 0 : index
    %get3A_134 = vector.load %arg5[%get3A_131, %get3A_132, %get3A_133] : memref<15x128x128xf32, #tpu.memory_space<vmem>>, vector<1x128x128xf32>
    %get3A_135 = vector.shape_cast %get3A_134 : vector<1x128x128xf32> to vector<128x128xf32>
    %dot_general3A_136 = arith.constant dense<0.000000e+00> : vector<128x128xf32>
    %dot_general3A_137 = tpu.matmul %reshape3A_130, %get3A_135, %dot_general3A_136 {dimension_numbers = #tpu.dot_dimension_numbers<[1], [0], [0], [1], [0, 0, 1, 1], [], []>, transpose_lhs_hint = false} : vector<128x128xf32>, vector<128x128xf32>, vector<128x128xf32> -> vector<128x128xf32>
    %add3A_138 = arith.addf %add3A_108, %dot_general3A_137 : vector<128x128xf32>
    %eq3A_139 = arith.constant 3 : i32
    %eq3A_140 = vector.broadcast %eq3A_139 : i32 to vector<16x128xi32>
    %eq3A_141 = arith.cmpi eq, %iota3A_49, %eq3A_140 : vector<16x128xi32>
    %convert_element_type3A_142 = arith.extui %eq3A_141 : vector<16x128xi1> to vector<16x128xi32>
    %convert_element_type3A_143 = arith.sitofp %convert_element_type3A_142 : vector<16x128xi32> to vector<16x128xf32>
    %dot_general3A_144 = arith.constant dense<0.000000e+00> : vector<2048x128xf32>
    %dot_general3A_145 = tpu.matmul %exp3A, %convert_element_type3A_143, %dot_general3A_144 {dimension_numbers = #tpu.dot_dimension_numbers<[1], [0], [0], [1], [0, 0, 1, 1], [], []>, transpose_lhs_hint = false} : vector<2048x16xf32>, vector<16x128xf32>, vector<2048x128xf32> -> vector<2048x128xf32>
    %mul3A_146 = arith.mulf %dot_general3A_145, %get3A_1 : vector<2048x128xf32>
    %reshape3A_147 = vector.shape_cast %mul3A_146 : vector<2048x128xf32> to vector<128x16x128xf32>
    %slice3A_148 = vector.extract_strided_slice %reshape3A_147 {offsets = [0, 0, 0], sizes = [128, 8, 128], strides = [1, 1, 1]} : vector<128x16x128xf32> to vector<128x8x128xf32>
    %slice3A_149 = vector.extract_strided_slice %reshape3A_147 {offsets = [0, 8, 0], sizes = [128, 8, 128], strides = [1, 1, 1]} : vector<128x16x128xf32> to vector<128x8x128xf32>
    %add3A_150 = arith.addf %slice3A_148, %slice3A_149 : vector<128x8x128xf32>
    %slice3A_151 = vector.extract_strided_slice %add3A_150 {offsets = [0, 0, 0], sizes = [128, 4, 128], strides = [1, 1, 1]} : vector<128x8x128xf32> to vector<128x4x128xf32>
    %slice3A_152 = vector.extract_strided_slice %add3A_150 {offsets = [0, 4, 0], sizes = [128, 4, 128], strides = [1, 1, 1]} : vector<128x8x128xf32> to vector<128x4x128xf32>
    %add3A_153 = arith.addf %slice3A_151, %slice3A_152 : vector<128x4x128xf32>
    %slice3A_154 = vector.extract_strided_slice %add3A_153 {offsets = [0, 0, 0], sizes = [128, 2, 128], strides = [1, 1, 1]} : vector<128x4x128xf32> to vector<128x2x128xf32>
    %slice3A_155 = vector.extract_strided_slice %add3A_153 {offsets = [0, 2, 0], sizes = [128, 2, 128], strides = [1, 1, 1]} : vector<128x4x128xf32> to vector<128x2x128xf32>
    %add3A_156 = arith.addf %slice3A_154, %slice3A_155 : vector<128x2x128xf32>
    %slice3A_157 = vector.extract_strided_slice %add3A_156 {offsets = [0, 0, 0], sizes = [128, 1, 128], strides = [1, 1, 1]} : vector<128x2x128xf32> to vector<128x1x128xf32>
    %slice3A_158 = vector.extract_strided_slice %add3A_156 {offsets = [0, 1, 0], sizes = [128, 1, 128], strides = [1, 1, 1]} : vector<128x2x128xf32> to vector<128x1x128xf32>
    %add3A_159 = arith.addf %slice3A_157, %slice3A_158 : vector<128x1x128xf32>
    %reshape3A_160 = vector.shape_cast %add3A_159 : vector<128x1x128xf32> to vector<128x128xf32>
    %get3A_161 = arith.constant 3 : index
    %get3A_162 = arith.constant 0 : index
    %get3A_163 = arith.constant 0 : index
    %get3A_164 = vector.load %arg5[%get3A_161, %get3A_162, %get3A_163] : memref<15x128x128xf32, #tpu.memory_space<vmem>>, vector<1x128x128xf32>
    %get3A_165 = vector.shape_cast %get3A_164 : vector<1x128x128xf32> to vector<128x128xf32>
    %dot_general3A_166 = arith.constant dense<0.000000e+00> : vector<128x128xf32>
    %dot_general3A_167 = tpu.matmul %reshape3A_160, %get3A_165, %dot_general3A_166 {dimension_numbers = #tpu.dot_dimension_numbers<[1], [0], [0], [1], [0, 0, 1, 1], [], []>, transpose_lhs_hint = false} : vector<128x128xf32>, vector<128x128xf32>, vector<128x128xf32> -> vector<128x128xf32>
    %add3A_168 = arith.addf %add3A_138, %dot_general3A_167 : vector<128x128xf32>
    %eq3A_169 = arith.constant 4 : i32
    %eq3A_170 = vector.broadcast %eq3A_169 : i32 to vector<16x128xi32>
    %eq3A_171 = arith.cmpi eq, %iota3A_49, %eq3A_170 : vector<16x128xi32>
    %convert_element_type3A_172 = arith.extui %eq3A_171 : vector<16x128xi1> to vector<16x128xi32>
    %convert_element_type3A_173 = arith.sitofp %convert_element_type3A_172 : vector<16x128xi32> to vector<16x128xf32>
    %dot_general3A_174 = arith.constant dense<0.000000e+00> : vector<2048x128xf32>
    %dot_general3A_175 = tpu.matmul %exp3A, %convert_element_type3A_173, %dot_general3A_174 {dimension_numbers = #tpu.dot_dimension_numbers<[1], [0], [0], [1], [0, 0, 1, 1], [], []>, transpose_lhs_hint = false} : vector<2048x16xf32>, vector<16x128xf32>, vector<2048x128xf32> -> vector<2048x128xf32>
    %mul3A_176 = arith.mulf %dot_general3A_175, %get3A_1 : vector<2048x128xf32>
    %reshape3A_177 = vector.shape_cast %mul3A_176 : vector<2048x128xf32> to vector<128x16x128xf32>
    %slice3A_178 = vector.extract_strided_slice %reshape3A_177 {offsets = [0, 0, 0], sizes = [128, 8, 128], strides = [1, 1, 1]} : vector<128x16x128xf32> to vector<128x8x128xf32>
    %slice3A_179 = vector.extract_strided_slice %reshape3A_177 {offsets = [0, 8, 0], sizes = [128, 8, 128], strides = [1, 1, 1]} : vector<128x16x128xf32> to vector<128x8x128xf32>
    %add3A_180 = arith.addf %slice3A_178, %slice3A_179 : vector<128x8x128xf32>
    %slice3A_181 = vector.extract_strided_slice %add3A_180 {offsets = [0, 0, 0], sizes = [128, 4, 128], strides = [1, 1, 1]} : vector<128x8x128xf32> to vector<128x4x128xf32>
    %slice3A_182 = vector.extract_strided_slice %add3A_180 {offsets = [0, 4, 0], sizes = [128, 4, 128], strides = [1, 1, 1]} : vector<128x8x128xf32> to vector<128x4x128xf32>
    %add3A_183 = arith.addf %slice3A_181, %slice3A_182 : vector<128x4x128xf32>
    %slice3A_184 = vector.extract_strided_slice %add3A_183 {offsets = [0, 0, 0], sizes = [128, 2, 128], strides = [1, 1, 1]} : vector<128x4x128xf32> to vector<128x2x128xf32>
    %slice3A_185 = vector.extract_strided_slice %add3A_183 {offsets = [0, 2, 0], sizes = [128, 2, 128], strides = [1, 1, 1]} : vector<128x4x128xf32> to vector<128x2x128xf32>
    %add3A_186 = arith.addf %slice3A_184, %slice3A_185 : vector<128x2x128xf32>
    %slice3A_187 = vector.extract_strided_slice %add3A_186 {offsets = [0, 0, 0], sizes = [128, 1, 128], strides = [1, 1, 1]} : vector<128x2x128xf32> to vector<128x1x128xf32>
    %slice3A_188 = vector.extract_strided_slice %add3A_186 {offsets = [0, 1, 0], sizes = [128, 1, 128], strides = [1, 1, 1]} : vector<128x2x128xf32> to vector<128x1x128xf32>
    %add3A_189 = arith.addf %slice3A_187, %slice3A_188 : vector<128x1x128xf32>
    %reshape3A_190 = vector.shape_cast %add3A_189 : vector<128x1x128xf32> to vector<128x128xf32>
    %get3A_191 = arith.constant 4 : index
    %get3A_192 = arith.constant 0 : index
    %get3A_193 = arith.constant 0 : index
    %get3A_194 = vector.load %arg5[%get3A_191, %get3A_192, %get3A_193] : memref<15x128x128xf32, #tpu.memory_space<vmem>>, vector<1x128x128xf32>
    %get3A_195 = vector.shape_cast %get3A_194 : vector<1x128x128xf32> to vector<128x128xf32>
    %dot_general3A_196 = arith.constant dense<0.000000e+00> : vector<128x128xf32>
    %dot_general3A_197 = tpu.matmul %reshape3A_190, %get3A_195, %dot_general3A_196 {dimension_numbers = #tpu.dot_dimension_numbers<[1], [0], [0], [1], [0, 0, 1, 1], [], []>, transpose_lhs_hint = false} : vector<128x128xf32>, vector<128x128xf32>, vector<128x128xf32> -> vector<128x128xf32>
    %add3A_198 = arith.addf %add3A_168, %dot_general3A_197 : vector<128x128xf32>
    %eq3A_199 = arith.constant 5 : i32
    %eq3A_200 = vector.broadcast %eq3A_199 : i32 to vector<16x128xi32>
    %eq3A_201 = arith.cmpi eq, %iota3A_49, %eq3A_200 : vector<16x128xi32>
    %convert_element_type3A_202 = arith.extui %eq3A_201 : vector<16x128xi1> to vector<16x128xi32>
    %convert_element_type3A_203 = arith.sitofp %convert_element_type3A_202 : vector<16x128xi32> to vector<16x128xf32>
    %dot_general3A_204 = arith.constant dense<0.000000e+00> : vector<2048x128xf32>
    %dot_general3A_205 = tpu.matmul %exp3A, %convert_element_type3A_203, %dot_general3A_204 {dimension_numbers = #tpu.dot_dimension_numbers<[1], [0], [0], [1], [0, 0, 1, 1], [], []>, transpose_lhs_hint = false} : vector<2048x16xf32>, vector<16x128xf32>, vector<2048x128xf32> -> vector<2048x128xf32>
    %mul3A_206 = arith.mulf %dot_general3A_205, %get3A_1 : vector<2048x128xf32>
    %reshape3A_207 = vector.shape_cast %mul3A_206 : vector<2048x128xf32> to vector<128x16x128xf32>
    %slice3A_208 = vector.extract_strided_slice %reshape3A_207 {offsets = [0, 0, 0], sizes = [128, 8, 128], strides = [1, 1, 1]} : vector<128x16x128xf32> to vector<128x8x128xf32>
    %slice3A_209 = vector.extract_strided_slice %reshape3A_207 {offsets = [0, 8, 0], sizes = [128, 8, 128], strides = [1, 1, 1]} : vector<128x16x128xf32> to vector<128x8x128xf32>
    %add3A_210 = arith.addf %slice3A_208, %slice3A_209 : vector<128x8x128xf32>
    %slice3A_211 = vector.extract_strided_slice %add3A_210 {offsets = [0, 0, 0], sizes = [128, 4, 128], strides = [1, 1, 1]} : vector<128x8x128xf32> to vector<128x4x128xf32>
    %slice3A_212 = vector.extract_strided_slice %add3A_210 {offsets = [0, 4, 0], sizes = [128, 4, 128], strides = [1, 1, 1]} : vector<128x8x128xf32> to vector<128x4x128xf32>
    %add3A_213 = arith.addf %slice3A_211, %slice3A_212 : vector<128x4x128xf32>
    %slice3A_214 = vector.extract_strided_slice %add3A_213 {offsets = [0, 0, 0], sizes = [128, 2, 128], strides = [1, 1, 1]} : vector<128x4x128xf32> to vector<128x2x128xf32>
    %slice3A_215 = vector.extract_strided_slice %add3A_213 {offsets = [0, 2, 0], sizes = [128, 2, 128], strides = [1, 1, 1]} : vector<128x4x128xf32> to vector<128x2x128xf32>
    %add3A_216 = arith.addf %slice3A_214, %slice3A_215 : vector<128x2x128xf32>
    %slice3A_217 = vector.extract_strided_slice %add3A_216 {offsets = [0, 0, 0], sizes = [128, 1, 128], strides = [1, 1, 1]} : vector<128x2x128xf32> to vector<128x1x128xf32>
    %slice3A_218 = vector.extract_strided_slice %add3A_216 {offsets = [0, 1, 0], sizes = [128, 1, 128], strides = [1, 1, 1]} : vector<128x2x128xf32> to vector<128x1x128xf32>
    %add3A_219 = arith.addf %slice3A_217, %slice3A_218 : vector<128x1x128xf32>
    %reshape3A_220 = vector.shape_cast %add3A_219 : vector<128x1x128xf32> to vector<128x128xf32>
    %get3A_221 = arith.constant 5 : index
    %get3A_222 = arith.constant 0 : index
    %get3A_223 = arith.constant 0 : index
    %get3A_224 = vector.load %arg5[%get3A_221, %get3A_222, %get3A_223] : memref<15x128x128xf32, #tpu.memory_space<vmem>>, vector<1x128x128xf32>
    %get3A_225 = vector.shape_cast %get3A_224 : vector<1x128x128xf32> to vector<128x128xf32>
    %dot_general3A_226 = arith.constant dense<0.000000e+00> : vector<128x128xf32>
    %dot_general3A_227 = tpu.matmul %reshape3A_220, %get3A_225, %dot_general3A_226 {dimension_numbers = #tpu.dot_dimension_numbers<[1], [0], [0], [1], [0, 0, 1, 1], [], []>, transpose_lhs_hint = false} : vector<128x128xf32>, vector<128x128xf32>, vector<128x128xf32> -> vector<128x128xf32>
    %add3A_228 = arith.addf %add3A_198, %dot_general3A_227 : vector<128x128xf32>
    %eq3A_229 = arith.constant 6 : i32
    %eq3A_230 = vector.broadcast %eq3A_229 : i32 to vector<16x128xi32>
    %eq3A_231 = arith.cmpi eq, %iota3A_49, %eq3A_230 : vector<16x128xi32>
    %convert_element_type3A_232 = arith.extui %eq3A_231 : vector<16x128xi1> to vector<16x128xi32>
    %convert_element_type3A_233 = arith.sitofp %convert_element_type3A_232 : vector<16x128xi32> to vector<16x128xf32>
    %dot_general3A_234 = arith.constant dense<0.000000e+00> : vector<2048x128xf32>
    %dot_general3A_235 = tpu.matmul %exp3A, %convert_element_type3A_233, %dot_general3A_234 {dimension_numbers = #tpu.dot_dimension_numbers<[1], [0], [0], [1], [0, 0, 1, 1], [], []>, transpose_lhs_hint = false} : vector<2048x16xf32>, vector<16x128xf32>, vector<2048x128xf32> -> vector<2048x128xf32>
    %mul3A_236 = arith.mulf %dot_general3A_235, %get3A_1 : vector<2048x128xf32>
    %reshape3A_237 = vector.shape_cast %mul3A_236 : vector<2048x128xf32> to vector<128x16x128xf32>
    %slice3A_238 = vector.extract_strided_slice %reshape3A_237 {offsets = [0, 0, 0], sizes = [128, 8, 128], strides = [1, 1, 1]} : vector<128x16x128xf32> to vector<128x8x128xf32>
    %slice3A_239 = vector.extract_strided_slice %reshape3A_237 {offsets = [0, 8, 0], sizes = [128, 8, 128], strides = [1, 1, 1]} : vector<128x16x128xf32> to vector<128x8x128xf32>
    %add3A_240 = arith.addf %slice3A_238, %slice3A_239 : vector<128x8x128xf32>
    %slice3A_241 = vector.extract_strided_slice %add3A_240 {offsets = [0, 0, 0], sizes = [128, 4, 128], strides = [1, 1, 1]} : vector<128x8x128xf32> to vector<128x4x128xf32>
    %slice3A_242 = vector.extract_strided_slice %add3A_240 {offsets = [0, 4, 0], sizes = [128, 4, 128], strides = [1, 1, 1]} : vector<128x8x128xf32> to vector<128x4x128xf32>
    %add3A_243 = arith.addf %slice3A_241, %slice3A_242 : vector<128x4x128xf32>
    %slice3A_244 = vector.extract_strided_slice %add3A_243 {offsets = [0, 0, 0], sizes = [128, 2, 128], strides = [1, 1, 1]} : vector<128x4x128xf32> to vector<128x2x128xf32>
    %slice3A_245 = vector.extract_strided_slice %add3A_243 {offsets = [0, 2, 0], sizes = [128, 2, 128], strides = [1, 1, 1]} : vector<128x4x128xf32> to vector<128x2x128xf32>
    %add3A_246 = arith.addf %slice3A_244, %slice3A_245 : vector<128x2x128xf32>
    %slice3A_247 = vector.extract_strided_slice %add3A_246 {offsets = [0, 0, 0], sizes = [128, 1, 128], strides = [1, 1, 1]} : vector<128x2x128xf32> to vector<128x1x128xf32>
    %slice3A_248 = vector.extract_strided_slice %add3A_246 {offsets = [0, 1, 0], sizes = [128, 1, 128], strides = [1, 1, 1]} : vector<128x2x128xf32> to vector<128x1x128xf32>
    %add3A_249 = arith.addf %slice3A_247, %slice3A_248 : vector<128x1x128xf32>
    %reshape3A_250 = vector.shape_cast %add3A_249 : vector<128x1x128xf32> to vector<128x128xf32>
    %get3A_251 = arith.constant 6 : index
    %get3A_252 = arith.constant 0 : index
    %get3A_253 = arith.constant 0 : index
    %get3A_254 = vector.load %arg5[%get3A_251, %get3A_252, %get3A_253] : memref<15x128x128xf32, #tpu.memory_space<vmem>>, vector<1x128x128xf32>
    %get3A_255 = vector.shape_cast %get3A_254 : vector<1x128x128xf32> to vector<128x128xf32>
    %dot_general3A_256 = arith.constant dense<0.000000e+00> : vector<128x128xf32>
    %dot_general3A_257 = tpu.matmul %reshape3A_250, %get3A_255, %dot_general3A_256 {dimension_numbers = #tpu.dot_dimension_numbers<[1], [0], [0], [1], [0, 0, 1, 1], [], []>, transpose_lhs_hint = false} : vector<128x128xf32>, vector<128x128xf32>, vector<128x128xf32> -> vector<128x128xf32>
    %add3A_258 = arith.addf %add3A_228, %dot_general3A_257 : vector<128x128xf32>
    %eq3A_259 = arith.constant 7 : i32
    %eq3A_260 = vector.broadcast %eq3A_259 : i32 to vector<16x128xi32>
    %eq3A_261 = arith.cmpi eq, %iota3A_49, %eq3A_260 : vector<16x128xi32>
    %convert_element_type3A_262 = arith.extui %eq3A_261 : vector<16x128xi1> to vector<16x128xi32>
    %convert_element_type3A_263 = arith.sitofp %convert_element_type3A_262 : vector<16x128xi32> to vector<16x128xf32>
    %dot_general3A_264 = arith.constant dense<0.000000e+00> : vector<2048x128xf32>
    %dot_general3A_265 = tpu.matmul %exp3A, %convert_element_type3A_263, %dot_general3A_264 {dimension_numbers = #tpu.dot_dimension_numbers<[1], [0], [0], [1], [0, 0, 1, 1], [], []>, transpose_lhs_hint = false} : vector<2048x16xf32>, vector<16x128xf32>, vector<2048x128xf32> -> vector<2048x128xf32>
    %mul3A_266 = arith.mulf %dot_general3A_265, %get3A_1 : vector<2048x128xf32>
    %reshape3A_267 = vector.shape_cast %mul3A_266 : vector<2048x128xf32> to vector<128x16x128xf32>
    %slice3A_268 = vector.extract_strided_slice %reshape3A_267 {offsets = [0, 0, 0], sizes = [128, 8, 128], strides = [1, 1, 1]} : vector<128x16x128xf32> to vector<128x8x128xf32>
    %slice3A_269 = vector.extract_strided_slice %reshape3A_267 {offsets = [0, 8, 0], sizes = [128, 8, 128], strides = [1, 1, 1]} : vector<128x16x128xf32> to vector<128x8x128xf32>
    %add3A_270 = arith.addf %slice3A_268, %slice3A_269 : vector<128x8x128xf32>
    %slice3A_271 = vector.extract_strided_slice %add3A_270 {offsets = [0, 0, 0], sizes = [128, 4, 128], strides = [1, 1, 1]} : vector<128x8x128xf32> to vector<128x4x128xf32>
    %slice3A_272 = vector.extract_strided_slice %add3A_270 {offsets = [0, 4, 0], sizes = [128, 4, 128], strides = [1, 1, 1]} : vector<128x8x128xf32> to vector<128x4x128xf32>
    %add3A_273 = arith.addf %slice3A_271, %slice3A_272 : vector<128x4x128xf32>
    %slice3A_274 = vector.extract_strided_slice %add3A_273 {offsets = [0, 0, 0], sizes = [128, 2, 128], strides = [1, 1, 1]} : vector<128x4x128xf32> to vector<128x2x128xf32>
    %slice3A_275 = vector.extract_strided_slice %add3A_273 {offsets = [0, 2, 0], sizes = [128, 2, 128], strides = [1, 1, 1]} : vector<128x4x128xf32> to vector<128x2x128xf32>
    %add3A_276 = arith.addf %slice3A_274, %slice3A_275 : vector<128x2x128xf32>
    %slice3A_277 = vector.extract_strided_slice %add3A_276 {offsets = [0, 0, 0], sizes = [128, 1, 128], strides = [1, 1, 1]} : vector<128x2x128xf32> to vector<128x1x128xf32>
    %slice3A_278 = vector.extract_strided_slice %add3A_276 {offsets = [0, 1, 0], sizes = [128, 1, 128], strides = [1, 1, 1]} : vector<128x2x128xf32> to vector<128x1x128xf32>
    %add3A_279 = arith.addf %slice3A_277, %slice3A_278 : vector<128x1x128xf32>
    %reshape3A_280 = vector.shape_cast %add3A_279 : vector<128x1x128xf32> to vector<128x128xf32>
    %get3A_281 = arith.constant 7 : index
    %get3A_282 = arith.constant 0 : index
    %get3A_283 = arith.constant 0 : index
    %get3A_284 = vector.load %arg5[%get3A_281, %get3A_282, %get3A_283] : memref<15x128x128xf32, #tpu.memory_space<vmem>>, vector<1x128x128xf32>
    %get3A_285 = vector.shape_cast %get3A_284 : vector<1x128x128xf32> to vector<128x128xf32>
    %dot_general3A_286 = arith.constant dense<0.000000e+00> : vector<128x128xf32>
    %dot_general3A_287 = tpu.matmul %reshape3A_280, %get3A_285, %dot_general3A_286 {dimension_numbers = #tpu.dot_dimension_numbers<[1], [0], [0], [1], [0, 0, 1, 1], [], []>, transpose_lhs_hint = false} : vector<128x128xf32>, vector<128x128xf32>, vector<128x128xf32> -> vector<128x128xf32>
    %add3A_288 = arith.addf %add3A_258, %dot_general3A_287 : vector<128x128xf32>
    %eq3A_289 = arith.constant 8 : i32
    %eq3A_290 = vector.broadcast %eq3A_289 : i32 to vector<16x128xi32>
    %eq3A_291 = arith.cmpi eq, %iota3A_49, %eq3A_290 : vector<16x128xi32>
    %convert_element_type3A_292 = arith.extui %eq3A_291 : vector<16x128xi1> to vector<16x128xi32>
    %convert_element_type3A_293 = arith.sitofp %convert_element_type3A_292 : vector<16x128xi32> to vector<16x128xf32>
    %dot_general3A_294 = arith.constant dense<0.000000e+00> : vector<2048x128xf32>
    %dot_general3A_295 = tpu.matmul %exp3A, %convert_element_type3A_293, %dot_general3A_294 {dimension_numbers = #tpu.dot_dimension_numbers<[1], [0], [0], [1], [0, 0, 1, 1], [], []>, transpose_lhs_hint = false} : vector<2048x16xf32>, vector<16x128xf32>, vector<2048x128xf32> -> vector<2048x128xf32>
    %mul3A_296 = arith.mulf %dot_general3A_295, %get3A_1 : vector<2048x128xf32>
    %reshape3A_297 = vector.shape_cast %mul3A_296 : vector<2048x128xf32> to vector<128x16x128xf32>
    %slice3A_298 = vector.extract_strided_slice %reshape3A_297 {offsets = [0, 0, 0], sizes = [128, 8, 128], strides = [1, 1, 1]} : vector<128x16x128xf32> to vector<128x8x128xf32>
    %slice3A_299 = vector.extract_strided_slice %reshape3A_297 {offsets = [0, 8, 0], sizes = [128, 8, 128], strides = [1, 1, 1]} : vector<128x16x128xf32> to vector<128x8x128xf32>
    %add3A_300 = arith.addf %slice3A_298, %slice3A_299 : vector<128x8x128xf32>
    %slice3A_301 = vector.extract_strided_slice %add3A_300 {offsets = [0, 0, 0], sizes = [128, 4, 128], strides = [1, 1, 1]} : vector<128x8x128xf32> to vector<128x4x128xf32>
    %slice3A_302 = vector.extract_strided_slice %add3A_300 {offsets = [0, 4, 0], sizes = [128, 4, 128], strides = [1, 1, 1]} : vector<128x8x128xf32> to vector<128x4x128xf32>
    %add3A_303 = arith.addf %slice3A_301, %slice3A_302 : vector<128x4x128xf32>
    %slice3A_304 = vector.extract_strided_slice %add3A_303 {offsets = [0, 0, 0], sizes = [128, 2, 128], strides = [1, 1, 1]} : vector<128x4x128xf32> to vector<128x2x128xf32>
    %slice3A_305 = vector.extract_strided_slice %add3A_303 {offsets = [0, 2, 0], sizes = [128, 2, 128], strides = [1, 1, 1]} : vector<128x4x128xf32> to vector<128x2x128xf32>
    %add3A_306 = arith.addf %slice3A_304, %slice3A_305 : vector<128x2x128xf32>
    %slice3A_307 = vector.extract_strided_slice %add3A_306 {offsets = [0, 0, 0], sizes = [128, 1, 128], strides = [1, 1, 1]} : vector<128x2x128xf32> to vector<128x1x128xf32>
    %slice3A_308 = vector.extract_strided_slice %add3A_306 {offsets = [0, 1, 0], sizes = [128, 1, 128], strides = [1, 1, 1]} : vector<128x2x128xf32> to vector<128x1x128xf32>
    %add3A_309 = arith.addf %slice3A_307, %slice3A_308 : vector<128x1x128xf32>
    %reshape3A_310 = vector.shape_cast %add3A_309 : vector<128x1x128xf32> to vector<128x128xf32>
    %get3A_311 = arith.constant 8 : index
    %get3A_312 = arith.constant 0 : index
    %get3A_313 = arith.constant 0 : index
    %get3A_314 = vector.load %arg5[%get3A_311, %get3A_312, %get3A_313] : memref<15x128x128xf32, #tpu.memory_space<vmem>>, vector<1x128x128xf32>
    %get3A_315 = vector.shape_cast %get3A_314 : vector<1x128x128xf32> to vector<128x128xf32>
    %dot_general3A_316 = arith.constant dense<0.000000e+00> : vector<128x128xf32>
    %dot_general3A_317 = tpu.matmul %reshape3A_310, %get3A_315, %dot_general3A_316 {dimension_numbers = #tpu.dot_dimension_numbers<[1], [0], [0], [1], [0, 0, 1, 1], [], []>, transpose_lhs_hint = false} : vector<128x128xf32>, vector<128x128xf32>, vector<128x128xf32> -> vector<128x128xf32>
    %add3A_318 = arith.addf %add3A_288, %dot_general3A_317 : vector<128x128xf32>
    %eq3A_319 = arith.constant 9 : i32
    %eq3A_320 = vector.broadcast %eq3A_319 : i32 to vector<16x128xi32>
    %eq3A_321 = arith.cmpi eq, %iota3A_49, %eq3A_320 : vector<16x128xi32>
    %convert_element_type3A_322 = arith.extui %eq3A_321 : vector<16x128xi1> to vector<16x128xi32>
    %convert_element_type3A_323 = arith.sitofp %convert_element_type3A_322 : vector<16x128xi32> to vector<16x128xf32>
    %dot_general3A_324 = arith.constant dense<0.000000e+00> : vector<2048x128xf32>
    %dot_general3A_325 = tpu.matmul %exp3A, %convert_element_type3A_323, %dot_general3A_324 {dimension_numbers = #tpu.dot_dimension_numbers<[1], [0], [0], [1], [0, 0, 1, 1], [], []>, transpose_lhs_hint = false} : vector<2048x16xf32>, vector<16x128xf32>, vector<2048x128xf32> -> vector<2048x128xf32>
    %mul3A_326 = arith.mulf %dot_general3A_325, %get3A_1 : vector<2048x128xf32>
    %reshape3A_327 = vector.shape_cast %mul3A_326 : vector<2048x128xf32> to vector<128x16x128xf32>
    %slice3A_328 = vector.extract_strided_slice %reshape3A_327 {offsets = [0, 0, 0], sizes = [128, 8, 128], strides = [1, 1, 1]} : vector<128x16x128xf32> to vector<128x8x128xf32>
    %slice3A_329 = vector.extract_strided_slice %reshape3A_327 {offsets = [0, 8, 0], sizes = [128, 8, 128], strides = [1, 1, 1]} : vector<128x16x128xf32> to vector<128x8x128xf32>
    %add3A_330 = arith.addf %slice3A_328, %slice3A_329 : vector<128x8x128xf32>
    %slice3A_331 = vector.extract_strided_slice %add3A_330 {offsets = [0, 0, 0], sizes = [128, 4, 128], strides = [1, 1, 1]} : vector<128x8x128xf32> to vector<128x4x128xf32>
    %slice3A_332 = vector.extract_strided_slice %add3A_330 {offsets = [0, 4, 0], sizes = [128, 4, 128], strides = [1, 1, 1]} : vector<128x8x128xf32> to vector<128x4x128xf32>
    %add3A_333 = arith.addf %slice3A_331, %slice3A_332 : vector<128x4x128xf32>
    %slice3A_334 = vector.extract_strided_slice %add3A_333 {offsets = [0, 0, 0], sizes = [128, 2, 128], strides = [1, 1, 1]} : vector<128x4x128xf32> to vector<128x2x128xf32>
    %slice3A_335 = vector.extract_strided_slice %add3A_333 {offsets = [0, 2, 0], sizes = [128, 2, 128], strides = [1, 1, 1]} : vector<128x4x128xf32> to vector<128x2x128xf32>
    %add3A_336 = arith.addf %slice3A_334, %slice3A_335 : vector<128x2x128xf32>
    %slice3A_337 = vector.extract_strided_slice %add3A_336 {offsets = [0, 0, 0], sizes = [128, 1, 128], strides = [1, 1, 1]} : vector<128x2x128xf32> to vector<128x1x128xf32>
    %slice3A_338 = vector.extract_strided_slice %add3A_336 {offsets = [0, 1, 0], sizes = [128, 1, 128], strides = [1, 1, 1]} : vector<128x2x128xf32> to vector<128x1x128xf32>
    %add3A_339 = arith.addf %slice3A_337, %slice3A_338 : vector<128x1x128xf32>
    %reshape3A_340 = vector.shape_cast %add3A_339 : vector<128x1x128xf32> to vector<128x128xf32>
    %get3A_341 = arith.constant 9 : index
    %get3A_342 = arith.constant 0 : index
    %get3A_343 = arith.constant 0 : index
    %get3A_344 = vector.load %arg5[%get3A_341, %get3A_342, %get3A_343] : memref<15x128x128xf32, #tpu.memory_space<vmem>>, vector<1x128x128xf32>
    %get3A_345 = vector.shape_cast %get3A_344 : vector<1x128x128xf32> to vector<128x128xf32>
    %dot_general3A_346 = arith.constant dense<0.000000e+00> : vector<128x128xf32>
    %dot_general3A_347 = tpu.matmul %reshape3A_340, %get3A_345, %dot_general3A_346 {dimension_numbers = #tpu.dot_dimension_numbers<[1], [0], [0], [1], [0, 0, 1, 1], [], []>, transpose_lhs_hint = false} : vector<128x128xf32>, vector<128x128xf32>, vector<128x128xf32> -> vector<128x128xf32>
    %add3A_348 = arith.addf %add3A_318, %dot_general3A_347 : vector<128x128xf32>
    %eq3A_349 = arith.constant 10 : i32
    %eq3A_350 = vector.broadcast %eq3A_349 : i32 to vector<16x128xi32>
    %eq3A_351 = arith.cmpi eq, %iota3A_49, %eq3A_350 : vector<16x128xi32>
    %convert_element_type3A_352 = arith.extui %eq3A_351 : vector<16x128xi1> to vector<16x128xi32>
    %convert_element_type3A_353 = arith.sitofp %convert_element_type3A_352 : vector<16x128xi32> to vector<16x128xf32>
    %dot_general3A_354 = arith.constant dense<0.000000e+00> : vector<2048x128xf32>
    %dot_general3A_355 = tpu.matmul %exp3A, %convert_element_type3A_353, %dot_general3A_354 {dimension_numbers = #tpu.dot_dimension_numbers<[1], [0], [0], [1], [0, 0, 1, 1], [], []>, transpose_lhs_hint = false} : vector<2048x16xf32>, vector<16x128xf32>, vector<2048x128xf32> -> vector<2048x128xf32>
    %mul3A_356 = arith.mulf %dot_general3A_355, %get3A_1 : vector<2048x128xf32>
    %reshape3A_357 = vector.shape_cast %mul3A_356 : vector<2048x128xf32> to vector<128x16x128xf32>
    %slice3A_358 = vector.extract_strided_slice %reshape3A_357 {offsets = [0, 0, 0], sizes = [128, 8, 128], strides = [1, 1, 1]} : vector<128x16x128xf32> to vector<128x8x128xf32>
    %slice3A_359 = vector.extract_strided_slice %reshape3A_357 {offsets = [0, 8, 0], sizes = [128, 8, 128], strides = [1, 1, 1]} : vector<128x16x128xf32> to vector<128x8x128xf32>
    %add3A_360 = arith.addf %slice3A_358, %slice3A_359 : vector<128x8x128xf32>
    %slice3A_361 = vector.extract_strided_slice %add3A_360 {offsets = [0, 0, 0], sizes = [128, 4, 128], strides = [1, 1, 1]} : vector<128x8x128xf32> to vector<128x4x128xf32>
    %slice3A_362 = vector.extract_strided_slice %add3A_360 {offsets = [0, 4, 0], sizes = [128, 4, 128], strides = [1, 1, 1]} : vector<128x8x128xf32> to vector<128x4x128xf32>
    %add3A_363 = arith.addf %slice3A_361, %slice3A_362 : vector<128x4x128xf32>
    %slice3A_364 = vector.extract_strided_slice %add3A_363 {offsets = [0, 0, 0], sizes = [128, 2, 128], strides = [1, 1, 1]} : vector<128x4x128xf32> to vector<128x2x128xf32>
    %slice3A_365 = vector.extract_strided_slice %add3A_363 {offsets = [0, 2, 0], sizes = [128, 2, 128], strides = [1, 1, 1]} : vector<128x4x128xf32> to vector<128x2x128xf32>
    %add3A_366 = arith.addf %slice3A_364, %slice3A_365 : vector<128x2x128xf32>
    %slice3A_367 = vector.extract_strided_slice %add3A_366 {offsets = [0, 0, 0], sizes = [128, 1, 128], strides = [1, 1, 1]} : vector<128x2x128xf32> to vector<128x1x128xf32>
    %slice3A_368 = vector.extract_strided_slice %add3A_366 {offsets = [0, 1, 0], sizes = [128, 1, 128], strides = [1, 1, 1]} : vector<128x2x128xf32> to vector<128x1x128xf32>
    %add3A_369 = arith.addf %slice3A_367, %slice3A_368 : vector<128x1x128xf32>
    %reshape3A_370 = vector.shape_cast %add3A_369 : vector<128x1x128xf32> to vector<128x128xf32>
    %get3A_371 = arith.constant 10 : index
    %get3A_372 = arith.constant 0 : index
    %get3A_373 = arith.constant 0 : index
    %get3A_374 = vector.load %arg5[%get3A_371, %get3A_372, %get3A_373] : memref<15x128x128xf32, #tpu.memory_space<vmem>>, vector<1x128x128xf32>
    %get3A_375 = vector.shape_cast %get3A_374 : vector<1x128x128xf32> to vector<128x128xf32>
    %dot_general3A_376 = arith.constant dense<0.000000e+00> : vector<128x128xf32>
    %dot_general3A_377 = tpu.matmul %reshape3A_370, %get3A_375, %dot_general3A_376 {dimension_numbers = #tpu.dot_dimension_numbers<[1], [0], [0], [1], [0, 0, 1, 1], [], []>, transpose_lhs_hint = false} : vector<128x128xf32>, vector<128x128xf32>, vector<128x128xf32> -> vector<128x128xf32>
    %add3A_378 = arith.addf %add3A_348, %dot_general3A_377 : vector<128x128xf32>
    %eq3A_379 = arith.constant 11 : i32
    %eq3A_380 = vector.broadcast %eq3A_379 : i32 to vector<16x128xi32>
    %eq3A_381 = arith.cmpi eq, %iota3A_49, %eq3A_380 : vector<16x128xi32>
    %convert_element_type3A_382 = arith.extui %eq3A_381 : vector<16x128xi1> to vector<16x128xi32>
    %convert_element_type3A_383 = arith.sitofp %convert_element_type3A_382 : vector<16x128xi32> to vector<16x128xf32>
    %dot_general3A_384 = arith.constant dense<0.000000e+00> : vector<2048x128xf32>
    %dot_general3A_385 = tpu.matmul %exp3A, %convert_element_type3A_383, %dot_general3A_384 {dimension_numbers = #tpu.dot_dimension_numbers<[1], [0], [0], [1], [0, 0, 1, 1], [], []>, transpose_lhs_hint = false} : vector<2048x16xf32>, vector<16x128xf32>, vector<2048x128xf32> -> vector<2048x128xf32>
    %mul3A_386 = arith.mulf %dot_general3A_385, %get3A_1 : vector<2048x128xf32>
    %reshape3A_387 = vector.shape_cast %mul3A_386 : vector<2048x128xf32> to vector<128x16x128xf32>
    %slice3A_388 = vector.extract_strided_slice %reshape3A_387 {offsets = [0, 0, 0], sizes = [128, 8, 128], strides = [1, 1, 1]} : vector<128x16x128xf32> to vector<128x8x128xf32>
    %slice3A_389 = vector.extract_strided_slice %reshape3A_387 {offsets = [0, 8, 0], sizes = [128, 8, 128], strides = [1, 1, 1]} : vector<128x16x128xf32> to vector<128x8x128xf32>
    %add3A_390 = arith.addf %slice3A_388, %slice3A_389 : vector<128x8x128xf32>
    %slice3A_391 = vector.extract_strided_slice %add3A_390 {offsets = [0, 0, 0], sizes = [128, 4, 128], strides = [1, 1, 1]} : vector<128x8x128xf32> to vector<128x4x128xf32>
    %slice3A_392 = vector.extract_strided_slice %add3A_390 {offsets = [0, 4, 0], sizes = [128, 4, 128], strides = [1, 1, 1]} : vector<128x8x128xf32> to vector<128x4x128xf32>
    %add3A_393 = arith.addf %slice3A_391, %slice3A_392 : vector<128x4x128xf32>
    %slice3A_394 = vector.extract_strided_slice %add3A_393 {offsets = [0, 0, 0], sizes = [128, 2, 128], strides = [1, 1, 1]} : vector<128x4x128xf32> to vector<128x2x128xf32>
    %slice3A_395 = vector.extract_strided_slice %add3A_393 {offsets = [0, 2, 0], sizes = [128, 2, 128], strides = [1, 1, 1]} : vector<128x4x128xf32> to vector<128x2x128xf32>
    %add3A_396 = arith.addf %slice3A_394, %slice3A_395 : vector<128x2x128xf32>
    %slice3A_397 = vector.extract_strided_slice %add3A_396 {offsets = [0, 0, 0], sizes = [128, 1, 128], strides = [1, 1, 1]} : vector<128x2x128xf32> to vector<128x1x128xf32>
    %slice3A_398 = vector.extract_strided_slice %add3A_396 {offsets = [0, 1, 0], sizes = [128, 1, 128], strides = [1, 1, 1]} : vector<128x2x128xf32> to vector<128x1x128xf32>
    %add3A_399 = arith.addf %slice3A_397, %slice3A_398 : vector<128x1x128xf32>
    %reshape3A_400 = vector.shape_cast %add3A_399 : vector<128x1x128xf32> to vector<128x128xf32>
    %get3A_401 = arith.constant 11 : index
    %get3A_402 = arith.constant 0 : index
    %get3A_403 = arith.constant 0 : index
    %get3A_404 = vector.load %arg5[%get3A_401, %get3A_402, %get3A_403] : memref<15x128x128xf32, #tpu.memory_space<vmem>>, vector<1x128x128xf32>
    %get3A_405 = vector.shape_cast %get3A_404 : vector<1x128x128xf32> to vector<128x128xf32>
    %dot_general3A_406 = arith.constant dense<0.000000e+00> : vector<128x128xf32>
    %dot_general3A_407 = tpu.matmul %reshape3A_400, %get3A_405, %dot_general3A_406 {dimension_numbers = #tpu.dot_dimension_numbers<[1], [0], [0], [1], [0, 0, 1, 1], [], []>, transpose_lhs_hint = false} : vector<128x128xf32>, vector<128x128xf32>, vector<128x128xf32> -> vector<128x128xf32>
    %add3A_408 = arith.addf %add3A_378, %dot_general3A_407 : vector<128x128xf32>
    %eq3A_409 = arith.constant 12 : i32
    %eq3A_410 = vector.broadcast %eq3A_409 : i32 to vector<16x128xi32>
    %eq3A_411 = arith.cmpi eq, %iota3A_49, %eq3A_410 : vector<16x128xi32>
    %convert_element_type3A_412 = arith.extui %eq3A_411 : vector<16x128xi1> to vector<16x128xi32>
    %convert_element_type3A_413 = arith.sitofp %convert_element_type3A_412 : vector<16x128xi32> to vector<16x128xf32>
    %dot_general3A_414 = arith.constant dense<0.000000e+00> : vector<2048x128xf32>
    %dot_general3A_415 = tpu.matmul %exp3A, %convert_element_type3A_413, %dot_general3A_414 {dimension_numbers = #tpu.dot_dimension_numbers<[1], [0], [0], [1], [0, 0, 1, 1], [], []>, transpose_lhs_hint = false} : vector<2048x16xf32>, vector<16x128xf32>, vector<2048x128xf32> -> vector<2048x128xf32>
    %mul3A_416 = arith.mulf %dot_general3A_415, %get3A_1 : vector<2048x128xf32>
    %reshape3A_417 = vector.shape_cast %mul3A_416 : vector<2048x128xf32> to vector<128x16x128xf32>
    %slice3A_418 = vector.extract_strided_slice %reshape3A_417 {offsets = [0, 0, 0], sizes = [128, 8, 128], strides = [1, 1, 1]} : vector<128x16x128xf32> to vector<128x8x128xf32>
    %slice3A_419 = vector.extract_strided_slice %reshape3A_417 {offsets = [0, 8, 0], sizes = [128, 8, 128], strides = [1, 1, 1]} : vector<128x16x128xf32> to vector<128x8x128xf32>
    %add3A_420 = arith.addf %slice3A_418, %slice3A_419 : vector<128x8x128xf32>
    %slice3A_421 = vector.extract_strided_slice %add3A_420 {offsets = [0, 0, 0], sizes = [128, 4, 128], strides = [1, 1, 1]} : vector<128x8x128xf32> to vector<128x4x128xf32>
    %slice3A_422 = vector.extract_strided_slice %add3A_420 {offsets = [0, 4, 0], sizes = [128, 4, 128], strides = [1, 1, 1]} : vector<128x8x128xf32> to vector<128x4x128xf32>
    %add3A_423 = arith.addf %slice3A_421, %slice3A_422 : vector<128x4x128xf32>
    %slice3A_424 = vector.extract_strided_slice %add3A_423 {offsets = [0, 0, 0], sizes = [128, 2, 128], strides = [1, 1, 1]} : vector<128x4x128xf32> to vector<128x2x128xf32>
    %slice3A_425 = vector.extract_strided_slice %add3A_423 {offsets = [0, 2, 0], sizes = [128, 2, 128], strides = [1, 1, 1]} : vector<128x4x128xf32> to vector<128x2x128xf32>
    %add3A_426 = arith.addf %slice3A_424, %slice3A_425 : vector<128x2x128xf32>
    %slice3A_427 = vector.extract_strided_slice %add3A_426 {offsets = [0, 0, 0], sizes = [128, 1, 128], strides = [1, 1, 1]} : vector<128x2x128xf32> to vector<128x1x128xf32>
    %slice3A_428 = vector.extract_strided_slice %add3A_426 {offsets = [0, 1, 0], sizes = [128, 1, 128], strides = [1, 1, 1]} : vector<128x2x128xf32> to vector<128x1x128xf32>
    %add3A_429 = arith.addf %slice3A_427, %slice3A_428 : vector<128x1x128xf32>
    %reshape3A_430 = vector.shape_cast %add3A_429 : vector<128x1x128xf32> to vector<128x128xf32>
    %get3A_431 = arith.constant 12 : index
    %get3A_432 = arith.constant 0 : index
    %get3A_433 = arith.constant 0 : index
    %get3A_434 = vector.load %arg5[%get3A_431, %get3A_432, %get3A_433] : memref<15x128x128xf32, #tpu.memory_space<vmem>>, vector<1x128x128xf32>
    %get3A_435 = vector.shape_cast %get3A_434 : vector<1x128x128xf32> to vector<128x128xf32>
    %dot_general3A_436 = arith.constant dense<0.000000e+00> : vector<128x128xf32>
    %dot_general3A_437 = tpu.matmul %reshape3A_430, %get3A_435, %dot_general3A_436 {dimension_numbers = #tpu.dot_dimension_numbers<[1], [0], [0], [1], [0, 0, 1, 1], [], []>, transpose_lhs_hint = false} : vector<128x128xf32>, vector<128x128xf32>, vector<128x128xf32> -> vector<128x128xf32>
    %add3A_438 = arith.addf %add3A_408, %dot_general3A_437 : vector<128x128xf32>
    %eq3A_439 = arith.constant 13 : i32
    %eq3A_440 = vector.broadcast %eq3A_439 : i32 to vector<16x128xi32>
    %eq3A_441 = arith.cmpi eq, %iota3A_49, %eq3A_440 : vector<16x128xi32>
    %convert_element_type3A_442 = arith.extui %eq3A_441 : vector<16x128xi1> to vector<16x128xi32>
    %convert_element_type3A_443 = arith.sitofp %convert_element_type3A_442 : vector<16x128xi32> to vector<16x128xf32>
    %dot_general3A_444 = arith.constant dense<0.000000e+00> : vector<2048x128xf32>
    %dot_general3A_445 = tpu.matmul %exp3A, %convert_element_type3A_443, %dot_general3A_444 {dimension_numbers = #tpu.dot_dimension_numbers<[1], [0], [0], [1], [0, 0, 1, 1], [], []>, transpose_lhs_hint = false} : vector<2048x16xf32>, vector<16x128xf32>, vector<2048x128xf32> -> vector<2048x128xf32>
    %mul3A_446 = arith.mulf %dot_general3A_445, %get3A_1 : vector<2048x128xf32>
    %reshape3A_447 = vector.shape_cast %mul3A_446 : vector<2048x128xf32> to vector<128x16x128xf32>
    %slice3A_448 = vector.extract_strided_slice %reshape3A_447 {offsets = [0, 0, 0], sizes = [128, 8, 128], strides = [1, 1, 1]} : vector<128x16x128xf32> to vector<128x8x128xf32>
    %slice3A_449 = vector.extract_strided_slice %reshape3A_447 {offsets = [0, 8, 0], sizes = [128, 8, 128], strides = [1, 1, 1]} : vector<128x16x128xf32> to vector<128x8x128xf32>
    %add3A_450 = arith.addf %slice3A_448, %slice3A_449 : vector<128x8x128xf32>
    %slice3A_451 = vector.extract_strided_slice %add3A_450 {offsets = [0, 0, 0], sizes = [128, 4, 128], strides = [1, 1, 1]} : vector<128x8x128xf32> to vector<128x4x128xf32>
    %slice3A_452 = vector.extract_strided_slice %add3A_450 {offsets = [0, 4, 0], sizes = [128, 4, 128], strides = [1, 1, 1]} : vector<128x8x128xf32> to vector<128x4x128xf32>
    %add3A_453 = arith.addf %slice3A_451, %slice3A_452 : vector<128x4x128xf32>
    %slice3A_454 = vector.extract_strided_slice %add3A_453 {offsets = [0, 0, 0], sizes = [128, 2, 128], strides = [1, 1, 1]} : vector<128x4x128xf32> to vector<128x2x128xf32>
    %slice3A_455 = vector.extract_strided_slice %add3A_453 {offsets = [0, 2, 0], sizes = [128, 2, 128], strides = [1, 1, 1]} : vector<128x4x128xf32> to vector<128x2x128xf32>
    %add3A_456 = arith.addf %slice3A_454, %slice3A_455 : vector<128x2x128xf32>
    %slice3A_457 = vector.extract_strided_slice %add3A_456 {offsets = [0, 0, 0], sizes = [128, 1, 128], strides = [1, 1, 1]} : vector<128x2x128xf32> to vector<128x1x128xf32>
    %slice3A_458 = vector.extract_strided_slice %add3A_456 {offsets = [0, 1, 0], sizes = [128, 1, 128], strides = [1, 1, 1]} : vector<128x2x128xf32> to vector<128x1x128xf32>
    %add3A_459 = arith.addf %slice3A_457, %slice3A_458 : vector<128x1x128xf32>
    %reshape3A_460 = vector.shape_cast %add3A_459 : vector<128x1x128xf32> to vector<128x128xf32>
    %get3A_461 = arith.constant 13 : index
    %get3A_462 = arith.constant 0 : index
    %get3A_463 = arith.constant 0 : index
    %get3A_464 = vector.load %arg5[%get3A_461, %get3A_462, %get3A_463] : memref<15x128x128xf32, #tpu.memory_space<vmem>>, vector<1x128x128xf32>
    %get3A_465 = vector.shape_cast %get3A_464 : vector<1x128x128xf32> to vector<128x128xf32>
    %dot_general3A_466 = arith.constant dense<0.000000e+00> : vector<128x128xf32>
    %dot_general3A_467 = tpu.matmul %reshape3A_460, %get3A_465, %dot_general3A_466 {dimension_numbers = #tpu.dot_dimension_numbers<[1], [0], [0], [1], [0, 0, 1, 1], [], []>, transpose_lhs_hint = false} : vector<128x128xf32>, vector<128x128xf32>, vector<128x128xf32> -> vector<128x128xf32>
    %add3A_468 = arith.addf %add3A_438, %dot_general3A_467 : vector<128x128xf32>
    %eq3A_469 = arith.constant 14 : i32
    %eq3A_470 = vector.broadcast %eq3A_469 : i32 to vector<16x128xi32>
    %eq3A_471 = arith.cmpi eq, %iota3A_49, %eq3A_470 : vector<16x128xi32>
    %convert_element_type3A_472 = arith.extui %eq3A_471 : vector<16x128xi1> to vector<16x128xi32>
    %convert_element_type3A_473 = arith.sitofp %convert_element_type3A_472 : vector<16x128xi32> to vector<16x128xf32>
    %dot_general3A_474 = arith.constant dense<0.000000e+00> : vector<2048x128xf32>
    %dot_general3A_475 = tpu.matmul %exp3A, %convert_element_type3A_473, %dot_general3A_474 {dimension_numbers = #tpu.dot_dimension_numbers<[1], [0], [0], [1], [0, 0, 1, 1], [], []>, transpose_lhs_hint = false} : vector<2048x16xf32>, vector<16x128xf32>, vector<2048x128xf32> -> vector<2048x128xf32>
    %mul3A_476 = arith.mulf %dot_general3A_475, %get3A_1 : vector<2048x128xf32>
    %reshape3A_477 = vector.shape_cast %mul3A_476 : vector<2048x128xf32> to vector<128x16x128xf32>
    %slice3A_478 = vector.extract_strided_slice %reshape3A_477 {offsets = [0, 0, 0], sizes = [128, 8, 128], strides = [1, 1, 1]} : vector<128x16x128xf32> to vector<128x8x128xf32>
    %slice3A_479 = vector.extract_strided_slice %reshape3A_477 {offsets = [0, 8, 0], sizes = [128, 8, 128], strides = [1, 1, 1]} : vector<128x16x128xf32> to vector<128x8x128xf32>
    %add3A_480 = arith.addf %slice3A_478, %slice3A_479 : vector<128x8x128xf32>
    %slice3A_481 = vector.extract_strided_slice %add3A_480 {offsets = [0, 0, 0], sizes = [128, 4, 128], strides = [1, 1, 1]} : vector<128x8x128xf32> to vector<128x4x128xf32>
    %slice3A_482 = vector.extract_strided_slice %add3A_480 {offsets = [0, 4, 0], sizes = [128, 4, 128], strides = [1, 1, 1]} : vector<128x8x128xf32> to vector<128x4x128xf32>
    %add3A_483 = arith.addf %slice3A_481, %slice3A_482 : vector<128x4x128xf32>
    %slice3A_484 = vector.extract_strided_slice %add3A_483 {offsets = [0, 0, 0], sizes = [128, 2, 128], strides = [1, 1, 1]} : vector<128x4x128xf32> to vector<128x2x128xf32>
    %slice3A_485 = vector.extract_strided_slice %add3A_483 {offsets = [0, 2, 0], sizes = [128, 2, 128], strides = [1, 1, 1]} : vector<128x4x128xf32> to vector<128x2x128xf32>
    %add3A_486 = arith.addf %slice3A_484, %slice3A_485 : vector<128x2x128xf32>
    %slice3A_487 = vector.extract_strided_slice %add3A_486 {offsets = [0, 0, 0], sizes = [128, 1, 128], strides = [1, 1, 1]} : vector<128x2x128xf32> to vector<128x1x128xf32>
    %slice3A_488 = vector.extract_strided_slice %add3A_486 {offsets = [0, 1, 0], sizes = [128, 1, 128], strides = [1, 1, 1]} : vector<128x2x128xf32> to vector<128x1x128xf32>
    %add3A_489 = arith.addf %slice3A_487, %slice3A_488 : vector<128x1x128xf32>
    %reshape3A_490 = vector.shape_cast %add3A_489 : vector<128x1x128xf32> to vector<128x128xf32>
    %get3A_491 = arith.constant 14 : index
    %get3A_492 = arith.constant 0 : index
    %get3A_493 = arith.constant 0 : index
    %get3A_494 = vector.load %arg5[%get3A_491, %get3A_492, %get3A_493] : memref<15x128x128xf32, #tpu.memory_space<vmem>>, vector<1x128x128xf32>
    %get3A_495 = vector.shape_cast %get3A_494 : vector<1x128x128xf32> to vector<128x128xf32>
    %dot_general3A_496 = arith.constant dense<0.000000e+00> : vector<128x128xf32>
    %dot_general3A_497 = tpu.matmul %reshape3A_490, %get3A_495, %dot_general3A_496 {dimension_numbers = #tpu.dot_dimension_numbers<[1], [0], [0], [1], [0, 0, 1, 1], [], []>, transpose_lhs_hint = false} : vector<128x128xf32>, vector<128x128xf32>, vector<128x128xf32> -> vector<128x128xf32>
    %add3A_498 = arith.addf %add3A_468, %dot_general3A_497 : vector<128x128xf32>
    %get3A_499 = arith.constant 0 : index
    %get3A_500 = arith.constant 0 : index
    %get3A_501 = vector.load %arg6[%get3A_499, %get3A_500] : memref<1x128xf32, #tpu.memory_space<vmem>>, vector<1x128xf32>
    %add3A_502 = vector.broadcast %get3A_501 : vector<1x128xf32> to vector<128x128xf32>
    %add3A_503 = arith.addf %add3A_498, %add3A_502 : vector<128x128xf32>
    %transpose3A = tpu.transpose %add3A_503, [1, 0] : vector<128x128xf32> -> vector<128x128xf32>
    %swap3A = arith.constant 0 : index
    %swap3A_504 = arith.constant 0 : index
    %swap3A_505 = vector.load %arg7[%swap3A, %swap3A_504] : memref<128x128xf32, #tpu.memory_space<vmem>>, vector<128x128xf32>
    tpu.vector_store %arg7[%swap3A, %swap3A_504], %transpose3A {strides = array<i32>} : memref<128x128xf32, #tpu.memory_space<vmem>>, vector<128x128xf32>,
    return
  }
  func.func @transform_0(%arg0: i32) -> (i32, i32) {
    %c0_i32 = arith.constant 0 : i32
    %c0_i32_0 = arith.constant 0 : i32
    return %arg0, %c0_i32 : i32, i32
  }
  func.func @transform_1(%arg0: i32) -> (i32, i32) {
    %c0_i32 = arith.constant 0 : i32
    %c0_i32_0 = arith.constant 0 : i32
    return %arg0, %c0_i32 : i32, i32
  }
  func.func @transform_2(%arg0: i32) -> (i32, i32) {
    %c0_i32 = arith.constant 0 : i32
    %c0_i32_0 = arith.constant 0 : i32
    return %arg0, %c0_i32 : i32, i32
  }
  func.func @transform_3(%arg0: i32) -> (i32, i32) {
    %c0_i32 = arith.constant 0 : i32
    %c0_i32_0 = arith.constant 0 : i32
    %c0_i32_1 = arith.constant 0 : i32
    return %c0_i32, %c0_i32_0 : i32, i32
  }
  func.func @transform_4(%arg0: i32) -> (i32, i32, i32) {
    %c0_i32 = arith.constant 0 : i32
    %c0_i32_0 = arith.constant 0 : i32
    %c0_i32_1 = arith.constant 0 : i32
    %c0_i32_2 = arith.constant 0 : i32
    return %c0_i32, %c0_i32_0, %c0_i32_1 : i32, i32, i32
  }
  func.func @transform_5(%arg0: i32) -> (i32, i32) {
    %c0_i32 = arith.constant 0 : i32
    %c0_i32_0 = arith.constant 0 : i32
    %c0_i32_1 = arith.constant 0 : i32
    return %c0_i32, %c0_i32_0 : i32, i32
  }
  func.func @transform_6(%arg0: i32) -> (i32, i32) {
    %c0_i32 = arith.constant 0 : i32
    %c0_i32_0 = arith.constant 0 : i32
    return %c0_i32, %arg0 : i32, i32
  }
}

</mosaic_0001>

<sc_bundles>
// kernel: kernel.5.cloned.1.call-start
scs
__scs_entry_jumppad:
0x0: {  	(pc) =	sbr.rel $0x88, $3  }
0x1: {  	(tag) =	ssettag $0x0;
	lr =	simm.s32 $0x1  }
0x2: {  	[smem:$0x3F9D] =	sst lr;
	_ =	strace $0xD0000000  }
0x3: {  	_ = 	snop  }
0x4: {  	_ = 	snop  }
0x5: {  	_ = 	snop  }
0x6: {  	_ = 	snop  }
0x7: {  	_ = 	snop  }
__scs_overlays_trampoline_lowered:
0x8: {  	[smem:$0x3FAC] =	sst s0  }
0x9: {  	[smem:$0x3FAD] =	sst s1  }
0xa: {  	[smem:$0x3FAE] =	sst s2  }
0xb: {  	[smem:$0x3FAF] =	sst s3  }
0xc: {  	[smem:$0x3FB0] =	sst s4  }
0xd: {  	[smem:$0x3FB1] =	sst s5  }
0xe: {  	[smem:$0x3FB2] =	sst s6  }
0xf: {  	[smem:$0x3FB3] =	sst s7  }
0x10: {  	[smem:$0x3FB4] =	sst s8  }
0x11: {  	[smem:$0x3FB5] =	sst s9;
	s0 =	simm.s32 @!p0 $0x0  }
0x12: {  	s1 =	sld [smem:$0x3F9B];
	s0 =	simm.s32 @p0 $0x1  }
0x13: {  	[smem:$0x3FB6] =	sst s0;
	s0 =	simm.s32 @!p1 $0x0  }
0x14: {  	s2 =	sld [smem:$0x3F9A];
	s0 =	simm.s32 @p1 $0x1  }
0x15: {  	[smem:$0x3FB7] =	sst s0;
	s0 =	simm.s32 @!p2 $0x0  }
0x16: {  	s3 =	sld [smem:$0x3FDB];
	s0 =	simm.s32 @p2 $0x1  }
0x17: {  	s4 =	simm.s32 $0x1BF5;
	[smem:$0x3FB9] =	sst s0  }
0x18: {  	s0 =	sld [smem:$0x3F9C];
	_ =	swait.ge [sflag:s4], $0x0  }
0x19: {  	s7 =	sld [smem:$0x3F9D]  }
0x1a: {  	s8 =	sadd.s32 $0xFFFFE003, lr  }
0x1b: {  	s9 =	sadd.s32 $0xFFFFFEF7, lr;
	s5 =	simm.s32 $0xFFFFFFFF;
	p2 =	slt.u32 s8, $0xFFFFF086  }
0x1c: {  	p1 =	slt.u32 s9, $0xF7A;
	s5 =	simm.s32 @!p2 $0x0  }
0x1d: {  	s5 =	simm.s32 @p1 $0x1;
	p0 =	seq.s32 s7, s2  }
0x1e: {  	s7 =	smul.u32 @!p0 $0xF7A, s2;
	p2 =	seq.s32 @!p0 s5, $0x0  }
0x1f: {  	s9 =	smul.u32 $0xF7A, s1;
	s8 =	simm.s32 @!p0 $0x1BF5;
	p2 =	por !p2, p0  }
0x20: {  	[sflag:s8] =	ssyncset.s32 @!p0 $0xFFFFF086;
	s6 =	sadd.s32 @!p0 s3, s7;
	s7 =	simm.s32 @!p0 $0x108  }
0x21: {  	s3 =	sadd.s32 s3, s9;
	s6 =	sadd.s32 @!p0 $0x88, s6;
	s7 =	simm.s32 @p2 $0x1082  }
0x22: {  	[simem:s7], [sflag:s8] =	dma.local @!p0 [hbm:s6], $0xF7A  }
0x23: {  	s9 =	sor.u32 $0xD0000000, s2;
	s6 =	simm.s32 $0x108;
	_ =	swait.ge @!p0 [sflag:s8], $0x0  }
0x24: {  	s3 =	sadd.s32 $0x88, s3;
	s6 =	simm.s32 @!p1 $0x1082;
	[sflag:s4] =	ssyncset.s32 $0xFFFFF086  }
0x25: {  	[simem:s6], [sflag:s4] =	dma.local [hbm:s3], $0xF7A  }
0x26: {  	[smem:$0x3F9D] =	sst s1;
	(tag) =	ssettag s2;
	_ =	strace s9  }
0x27: {  	s1 =	sld [smem:$0x3FAD]  }
0x28: {  	s2 =	sld [smem:$0x3FAE]  }
0x29: {  	s4 =	sld [smem:$0x3FB0]  }
0x2a: {  	p0 =	seq.s32 s5, $0x0;
	s5 =	sld [smem:$0x3FB1]  }
0x2b: {  	s6 =	sld [smem:$0x3FB2]  }
0x2c: {  	s7 =	sld [smem:$0x3FB3]  }
0x2d: {  	s3 =	simm.s32 $0x108;
	s8 =	sld [smem:$0x3FB4]  }
0x2e: {  	s3 =	simm.s32 @!p0 $0x1082;
	s9 =	sld [smem:$0x3FB5]  }
0x2f: {  	lr =	sadd.s32 s0, s3;
	s0 =	sld [smem:$0x3FAC]  }
0x30: {  	s3 =	sld [smem:$0x3FAF]  }
0x31: {  	[smem:$0x3FB8] =	sst s10  }
0x32: {  	s10 =	sld [smem:$0x3FB6];
	_ =	sdelay $0x3  }
0x33: {  	p0 =	seq.s32 s10, $0x1;
	s10 =	sld [smem:$0x3FB8];
	_ =	sdelay $0x3  }
0x34: {  	[smem:$0x3FB8] =	sst s10  }
0x35: {  	s10 =	sld [smem:$0x3FB7];
	_ =	sdelay $0x3  }
0x36: {  	p1 =	seq.s32 s10, $0x1;
	s10 =	sld [smem:$0x3FB8];
	_ =	sdelay $0x3  }
0x37: {  	[smem:$0x3FB8] =	sst s10  }
0x38: {  	s10 =	sld [smem:$0x3FB9]  }
0x39: {  	_ = 	snop;
	(pc) =	sbr.ind lr, $3  }
0x3a: {  	_ = 	snop  }
0x3b: {  	_ = 	snop  }
0x3c: {  	p2 =	seq.s32 s10, $0x1;
	s10 =	sld [smem:$0x3FB8]  }
0x3d: {  	_ =	shalt  }
0x3e: {  	_ =	shalt  }
0x3f: {  	_ =	shalt  }
0x40: {  	_ =	shalt  }
0x41: {  	_ =	shalt  }
0x42: {  	_ =	shalt  }
0x43: {  	_ =	shalt  }
0x44: {  	_ =	shalt  }
0x45: {  	_ =	shalt  }
0x46: {  	_ =	shalt  }
0x47: {  	_ =	shalt  }
0x48: {  	_ =	shalt  }
0x49: {  	_ =	shalt  }
0x4a: {  	_ =	shalt  }
0x4b: {  	_ =	shalt  }
0x4c: {  	_ =	shalt  }
0x4d: {  	_ =	shalt  }
0x4e: {  	_ =	shalt  }
0x4f: {  	_ =	shalt  }
0x50: {  	_ =	shalt  }
0x51: {  	_ =	shalt  }
0x52: {  	_ =	shalt  }
0x53: {  	_ =	shalt  }
0x54: {  	_ =	shalt  }
0x55: {  	_ =	shalt  }
0x56: {  	_ =	shalt  }
0x57: {  	_ =	shalt  }
0x58: {  	_ =	shalt  }
0x59: {  	_ =	shalt  }
0x5a: {  	_ =	shalt  }
0x5b: {  	_ =	shalt  }
0x5c: {  	_ =	shalt  }
0x5d: {  	_ =	shalt  }
0x5e: {  	_ =	shalt  }
0x5f: {  	_ =	shalt  }
0x60: {  	_ =	shalt  }
0x61: {  	_ =	shalt  }
0x62: {  	_ =	shalt  }
0x63: {  	_ =	shalt  }
0x64: {  	_ =	shalt  }
0x65: {  	_ =	shalt  }
0x66: {  	_ =	shalt  }
0x67: {  	_ =	shalt  }
0x68: {  	_ =	shalt  }
0x69: {  	_ =	shalt  }
0x6a: {  	_ =	shalt  }
0x6b: {  	_ =	shalt  }
0x6c: {  	_ =	shalt  }
0x6d: {  	_ =	shalt  }
0x6e: {  	_ =	shalt  }
0x6f: {  	_ =	shalt  }
0x70: {  	_ =	shalt  }
0x71: {  	_ =	shalt  }
0x72: {  	_ =	shalt  }
0x73: {  	_ =	shalt  }
0x74: {  	_ =	shalt  }
0x75: {  	_ =	shalt  }
0x76: {  	_ =	shalt  }
0x77: {  	_ =	shalt  }
0x78: {  	_ =	shalt  }
0x79: {  	_ =	shalt  }
0x7a: {  	_ =	shalt  }
0x7b: {  	_ =	shalt  }
0x7c: {  	_ =	shalt  }
0x7d: {  	_ =	shalt  }
0x7e: {  	_ =	shalt  }
0x7f: {  	_ =	shalt  }
0x80: {  	_ =	shalt  }
0x81: {  	_ =	shalt  }
0x82: {  	_ =	shalt  }
0x83: {  	_ =	shalt  }
0x84: {  	_ =	shalt  }
0x85: {  	_ =	shalt  }
0x86: {  	_ =	shalt  }
0x87: {  	_ =	shalt  }
.Lfunc_end0:
.L_simem_size_0:
called_computation_lowered:
.L_overlay_start_0:
0x88: {  	s2 =	sld [smem:$0x3FD9]  }
0x89: {  	s3 =	sld [smem:$0x3FFE];
	_ =	sdelay $0x1  }
0x8a: {  	s1 =	srdreg.scid  }
0x8b: {  	s0 =	sand.u32 $0x1, s1  }
0x8c: {  	s17 =	sshll.u32 s0, $0xA;
	s2 =	sadd.s32 s3, s2  }
0x8d: {  	s2 =	sadd.s32 s2, s17  }
0x8e: {  	[smem:$0x3FC4] =	sst s2  }
0x8f: {  	_ = 	snop  }
0x90: {  	s2 =	sld [smem:$0x3FD0];
	(tm) =	ssettm $0x1  }
0x91: {  	s18 =	sld [smem:$0x3FFB];
	_ =	sdelay $0x3  }
0x92: {  	_ =	strace s18  }
0x93: {  	s3 =	sld [smem:$0x3FFC];
	_ =	sdelay $0x3  }
0x94: {  	_ =	strace s3  }
0x95: {  	s3 =	sld [smem:$0x3FFD];
	_ =	sdelay $0x3  }
0x96: {  	_ =	strace s3  }
0x97: {  	_ =	strace $0x8FFFFFFF  }
0x98: {  	s19 =	sld [smem:$0x3FDB];
	_ =	sdelay $0x1  }
0x99: {  	s4 =	simm.s32 $_scs_section_size  }
0x9a: {  	s5 =	simm.s32 $_size__tile_overlayer_lowered;
	s6 =	simm.s32 $_tile_overlayer_lowered  }
0x9b: {  	s22 =	simm.s32 $0x1BFF;
	s21 =	sshll.u32 s6, $0x1;
	s3 =	sadd.s32 s4, s19  }
0x9c: {  	s7 =	simm.s32 $0x0;
	s20 =	sshll.u32 s5, $0x1;
	s5 =	sadd.s32 s21, s3  }
0x9d: {  	[timem:s7], [sflag:s22] =	dma.local [hbm:s5], s20  }
0x9e: {  	_ =	swait.ge [sflag:s22], s20  }
0x9f: {  	s4 =	ssub.s32 $0x0, s20;
	[sflag:s22] =	ssyncset.done $0x0  }
0xa0: {  	[sflag:s22] =	ssyncadd.s32 s4;
	_ =	sdelay $0x1  }
0xa1: {  	s23 =	simm.s32 $0x1B8B  }
0xa2: {  	_ =	swait.ge [sflag:s23], $0x1  }
0xa3: {  	[sflag:s23] =	ssyncset.done $0x0  }
0xa4: {  	s25 =	simm.s32 $0x1B8E;
	s24 =	sld [smem:$0x3FFE];
	[sflag:s23] =	ssyncadd.s32 $0xFFFFFFFF  }
0xa5: {  	s26 =	simm.s32 $execute0_lowered;
	[smem:$0x3FD2] =	sst s25  }
0xa6: {  	s5 =	sshll.u32 s26, $0x1;
	_ =	strace $0x80000046;
	[dreg:$0x1] =	wrdreg $0xFFFFFFFF  }
0xa7: {  	s28 =	simm.s32 $_size_execute0_lowered;
	s3 =	sadd.s32 s3, s5;
	[dreg:$0x0] =	wrdreg $0x0  }
0xa8: {  	s5 =	sshll.u32 s28, $0x1;
	[dreg:$0x2] =	wrdreg s3  }
0xa9: {  	[dreg:$0x3] =	wrdreg s5  }
0xaa: {  	[dreg:$0x4] =	wrdreg $0xC0  }
0xab: {  	_ =	task [dreg:s7], $0x5FFFF  }
0xac: {  	[dreg:$0x1] =	wrdreg $0xFFFFFFFF  }
0xad: {  	[dreg:$0x0] =	wrdreg $0x60  }
0xae: {  	[dreg:$0x2] =	wrdreg s24  }
0xaf: {  	[dreg:$0x3] =	wrdreg s2  }
0xb0: {  	[dreg:$0x4] =	wrdreg $0x9  }
0xb1: {  	_ =	task.clear_ibuf [dreg:s7], $0x5FFFF;
	_ =	strace $0x90000046  }
0xb2: {  	s29 =	simm.s32 $0x9;
	_ =	strace $0x80000048  }
0xb3: {  	_ =	swait.ge [sflag:s29], $0x1  }
0xb4: {  	[sflag:s29] =	ssyncadd.s32 $0xFFFFFFFF  }
0xb5: {  	_ =	strace $0x90000048  }
0xb6: {  	_ =	sfence  }
0xb7: {  	s30 =	sld [smem:$0x0];
	_ =	sdelay $0x2  }
0xb8: {  	s31 =	sshll.u32 s1, $0xD;
	s1 =	sshrl.u32 s1, $0x2  }
0xb9: {  	s3 =	sand.u32 $0x4000, s31;
	s1 =	sadd.s32 s1, s30  }
0xba: {  	s0 =	sor.u32 s3, s0;
	s1 =	sshll.u32 s1, $0x11  }
0xbb: {  	s0 =	sor.u32 s1, s0  }
0xbc: {  	s0 =	sadd.s32 $0x8F2B, s0  }
0xbd: {  	[sflag:s0] =	ssyncadd.remote.s32 $0x1  }
0xbe: {  	_ =	sfence.sel $0xFFFF  }
0xbf: {  	[dreg:$0x0] =	wrdreg $0xFFFFFFFF;
	(pc) =	sbr.abs _section_cstart, $3  }
0xc0: {  	[dreg:$0x1] =	wrdreg $0xFFFFFFFF  }
0xc1: {  	_ =	task.clear_ibuf [dreg:s7], $0x2FFFF;
	_ =	strace $0x9FFFFFFF  }
0xc2: {  	(tm) =	ssettm $0x7FFFFFFF  }
0xc3: {  	_ =	shalt  }
tec
execute0_lowered:
.L_overlay_start_1:
0x0: {  	(tag) =	ssettag $0x1  }
0x1: {  	s5 =	rddreg [dreg:$0x0]  }
0x2: {  	s9 =	rddreg [dreg:$0x1]  }
0x3: {  	s0 =	rddreg [dreg:$0x2];
	s1 =	stileid.u32  }
0x4: {  	s3 =	srdreg.scid;
	s2 =	simm.s32 $0x0;
	s13 =	simm.s32 $0x4100  }
0x5: {  	s14 =	simm.s32 $0x8100;
	s15 =	simm.s32 $0xC100;
	s16 =	simm.s32 $0x1  }
0x6: {  	s17 =	simm.s32 $0x2;
	s18 =	simm.s32 $0x3;
	s19 =	simm.s32 $0x4  }
0x7: {  	s20 =	simm.s32 $0x0;
	s6 =	smul.u32 $0x28000, s1;
	s4 =	sand.u32 $0x1, s3  }
0x8: {  	[smem:$0x7FF] =	sst s2;
	s10 =	smul.u32 $0x2800, s1;
	s3 =	sadd.s32 $0x29600, s5  }
0x9: {  	s7 =	smul.u32 $0x14000, s4;
	_ =	strace $0x80000047;
	s8 =	ssub.s32 $0x2, s4  }
0xa: {  	s12 =	smul.u32 $0x1400, s4;
	s11 =	sshrl.u32 s8, $0x1;
	s6 =	sadd.s32 s6, s5  }
0xb: {  	s4 =	sadd.s32 $0x1600, s5;
	s28 =	ssub.s32 s8, s11;
	s7 =	sadd.s32 s7, s6  }
0xc: {  	s29 =	sadd.s32 s12, s10;
	s11 =	simm.s32 $0x80;
	s12 =	simm.s32 $0x100  }
0xd: {  	s5 =	smax.u32 s28, $0x1;
	s6 =	sadd.s32 $0x51600, s7;
	s30 =	sor.u32 $0x80, s29  }
0xe: {  	s10 =	sshrl.u32 s29, $0x3;
	s7 =	sadd.s32 $0x2D1600, s7;
	s31 =	sshrl.u32 s30, $0x3  }
0xf: {  	s8 =	sadd.s32 s10, s9;
	s10 =	simm.s32 $0x5;
	s9 =	sadd.s32 s31, s9  }
.LBB2_1:
0x10: {  	[tilespmem:s2], [sflag:$0x5] =	stream.linear.gather [hbm4b:s8+s2], $0x80, $0x38;
	[tilespmem:$0x10100] =	vst v63  }
0x11: {  	_ =	swait.ge [sflag:s10], $0x80  }
0x12: {  	[sflag:s10] =	ssyncset.done $0x0  }
0x13: {  	[sflag:s10] =	ssyncadd.s32 $0xFFFFFF80  }
0x14: {  	[tilespmem:s11], [sflag:$0x5] =	stream.linear.gather [hbm4b:s9+s2], $0x80, $0x38;
	[tilespmem:$0x10100] =	vst v63  }
0x15: {  	_ =	swait.ge [sflag:s10], $0x80  }
0x16: {  	[sflag:s10] =	ssyncset.done $0x0  }
0x17: {  	[sflag:s10] =	ssyncadd.s32 $0xFFFFFF80  }
0x18: {  	[tilespmem:s12], [sflag:$0x1] =	stream.indirect.gather [hbm4b:s3+s11], $0x80, s2, s11, $0xb8;
	[tilespmem:$0x10100] =	vst v63  }
0x19: {  	_ = 	snop  }
0x1a: {  	[tilespmem:s13], [sflag:$0x2] =	stream.indirect.gather [hbm4b:s4+s11], $0x80, s2, s11, $0xb8;
	[tilespmem:$0x10100] =	vst v63  }
0x1b: {  	_ = 	snop  }
0x1c: {  	[tilespmem:s14], [sflag:$0x3] =	stream.indirect.gather [hbm4b:s3+s11], $0x80, s11, s11, $0xb8;
	[tilespmem:$0x10100] =	vst v63  }
0x1d: {  	_ = 	snop  }
0x1e: {  	[tilespmem:s15], [sflag:$0x4] =	stream.indirect.gather [hbm4b:s4+s11], $0x80, s11, s11, $0xb8;
	[tilespmem:$0x10100] =	vst v63  }
0x1f: {  	_ =	swait.ge [sflag:s16], $0x4000  }
0x20: {  	[sflag:s16] =	ssyncset.done $0x0  }
0x21: {  	[sflag:s16] =	ssyncadd.s32 $0xFFFFC000  }
0x22: {  	_ =	swait.ge [sflag:s17], $0x4000  }
0x23: {  	[sflag:s17] =	ssyncset.done $0x0  }
0x24: {  	s21 =	sadd.s32 $0x0, s6;
	[sflag:s17] =	ssyncadd.s32 $0xFFFFC000  }
0x25: {  	[hbm4b:s21+s2] =	stream.linear.scatter [tilespmem:s12], [sflag:$0x5], $0x4000, $0x38;
	[tilespmem:$0x10100] =	vst v63  }
0x26: {  	_ =	swait.ge [sflag:s10], $0x4000  }
0x27: {  	[sflag:s10] =	ssyncset.done $0x0  }
0x28: {  	s22 =	sadd.s32 $0x0, s7;
	[sflag:s10] =	ssyncadd.s32 $0xFFFFC000  }
0x29: {  	[hbm4b:s22+s2] =	stream.linear.scatter [tilespmem:s13], [sflag:$0x5], $0x4000, $0x38;
	[tilespmem:$0x10100] =	vst v63  }
0x2a: {  	_ =	swait.ge [sflag:s10], $0x4000  }
0x2b: {  	[sflag:s10] =	ssyncset.done $0x0  }
0x2c: {  	[sflag:s10] =	ssyncadd.s32 $0xFFFFC000  }
0x2d: {  	_ =	swait.ge [sflag:s18], $0x4000  }
0x2e: {  	[sflag:s18] =	ssyncset.done $0x0  }
0x2f: {  	[sflag:s18] =	ssyncadd.s32 $0xFFFFC000  }
0x30: {  	_ =	swait.ge [sflag:s19], $0x4000  }
0x31: {  	[sflag:s19] =	ssyncset.done $0x0  }
0x32: {  	s21 =	sadd.s32 $0x800, s21;
	[sflag:s19] =	ssyncadd.s32 $0xFFFFC000  }
0x33: {  	[hbm4b:s21+s2] =	stream.linear.scatter [tilespmem:s14], [sflag:$0x5], $0x4000, $0x38;
	[tilespmem:$0x10100] =	vst v63  }
0x34: {  	_ =	swait.ge [sflag:s10], $0x4000  }
0x35: {  	[sflag:s10] =	ssyncset.done $0x0  }
0x36: {  	s31 =	sadd.s32 $0x800, s22;
	[sflag:s10] =	ssyncadd.s32 $0xFFFFC000  }
0x37: {  	[hbm4b:s31+s2] =	stream.linear.scatter [tilespmem:s15], [sflag:$0x5], $0x4000, $0x38;
	[tilespmem:$0x10100] =	vst v63  }
0x38: {  	s23 =	smov.u32 s9;
	_ =	swait.ge [sflag:s10], $0x4000  }
0x39: {  	s22 =	smov.u32 s8;
	s21 =	simm.s32 $0x1000;
	[sflag:s10] =	ssyncset.done $0x0  }
.LBB2_2:
0x3a: {  	[sflag:s10] =	ssyncadd.s32 $0xFFFFC000  }
0x3b: {  	s22 =	sadd.s32 $0x20, s22;
	s23 =	sadd.s32 $0x20, s23;
	s24 =	smov.u32 s21  }
0x3c: {  	[tilespmem:s2], [sflag:$0x5] =	stream.linear.gather [hbm4b:s22+s2], $0x80, $0x38;
	[tilespmem:$0x10100] =	vst v63  }
0x3d: {  	p0 =	sne.s32 s21, $0x13000;
	s21 =	sadd.s32 $0x1000, s21;
	_ =	swait.ge [sflag:s10], $0x80  }
0x3e: {  	[sflag:s10] =	ssyncset.done $0x0  }
0x3f: {  	[sflag:s10] =	ssyncadd.s32 $0xFFFFFF80  }
0x40: {  	[tilespmem:s11], [sflag:$0x5] =	stream.linear.gather [hbm4b:s23+s2], $0x80, $0x38;
	[tilespmem:$0x10100] =	vst v63  }
0x41: {  	_ =	swait.ge [sflag:s10], $0x80  }
0x42: {  	[sflag:s10] =	ssyncset.done $0x0  }
0x43: {  	[sflag:s10] =	ssyncadd.s32 $0xFFFFFF80  }
0x44: {  	[tilespmem:s12], [sflag:$0x1] =	stream.indirect.gather [hbm4b:s3+s11], $0x80, s2, s11, $0xb8;
	[tilespmem:$0x10100] =	vst v63  }
0x45: {  	_ = 	snop  }
0x46: {  	[tilespmem:s13], [sflag:$0x2] =	stream.indirect.gather [hbm4b:s4+s11], $0x80, s2, s11, $0xb8;
	[tilespmem:$0x10100] =	vst v63  }
0x47: {  	_ = 	snop  }
0x48: {  	[tilespmem:s14], [sflag:$0x3] =	stream.indirect.gather [hbm4b:s3+s11], $0x80, s11, s11, $0xb8;
	[tilespmem:$0x10100] =	vst v63  }
0x49: {  	_ = 	snop  }
0x4a: {  	[tilespmem:s15], [sflag:$0x4] =	stream.indirect.gather [hbm4b:s4+s11], $0x80, s11, s11, $0xb8;
	[tilespmem:$0x10100] =	vst v63  }
0x4b: {  	_ =	swait.ge [sflag:s16], $0x4000  }
0x4c: {  	[sflag:s16] =	ssyncset.done $0x0  }
0x4d: {  	[sflag:s16] =	ssyncadd.s32 $0xFFFFC000  }
0x4e: {  	_ =	swait.ge [sflag:s17], $0x4000  }
0x4f: {  	[sflag:s17] =	ssyncset.done $0x0  }
0x50: {  	s25 =	sadd.s32 s24, s6;
	[sflag:s17] =	ssyncadd.s32 $0xFFFFC000  }
0x51: {  	[hbm4b:s25+s2] =	stream.linear.scatter [tilespmem:s12], [sflag:$0x5], $0x4000, $0x38;
	[tilespmem:$0x10100] =	vst v63  }
0x52: {  	_ =	swait.ge [sflag:s10], $0x4000  }
0x53: {  	[sflag:s10] =	ssyncset.done $0x0  }
0x54: {  	s24 =	sadd.s32 s24, s7;
	[sflag:s10] =	ssyncadd.s32 $0xFFFFC000  }
0x55: {  	[hbm4b:s24+s2] =	stream.linear.scatter [tilespmem:s13], [sflag:$0x5], $0x4000, $0x38;
	[tilespmem:$0x10100] =	vst v63  }
0x56: {  	_ =	swait.ge [sflag:s10], $0x4000  }
0x57: {  	[sflag:s10] =	ssyncset.done $0x0  }
0x58: {  	[sflag:s10] =	ssyncadd.s32 $0xFFFFC000  }
0x59: {  	_ =	swait.ge [sflag:s18], $0x4000  }
0x5a: {  	[sflag:s18] =	ssyncset.done $0x0  }
0x5b: {  	[sflag:s18] =	ssyncadd.s32 $0xFFFFC000  }
0x5c: {  	_ =	swait.ge [sflag:s19], $0x4000  }
0x5d: {  	[sflag:s19] =	ssyncset.done $0x0  }
0x5e: {  	s25 =	sadd.s32 $0x800, s25;
	[sflag:s19] =	ssyncadd.s32 $0xFFFFC000  }
0x5f: {  	[hbm4b:s25+s2] =	stream.linear.scatter [tilespmem:s14], [sflag:$0x5], $0x4000, $0x38;
	[tilespmem:$0x10100] =	vst v63  }
0x60: {  	_ =	swait.ge [sflag:s10], $0x4000  }
.Ltmp0:
0x61: {  	[sflag:s10] =	ssyncset.done $0x0;
	(pc) =	sbr.rel @p0 .LBB2_2-.Ltmp0, $4  }
0x62: {  	s24 =	sadd.s32 $0x800, s24;
	[sflag:s10] =	ssyncadd.s32 $0xFFFFC000  }
0x63: {  	[hbm4b:s24+s2] =	stream.linear.scatter [tilespmem:s15], [sflag:$0x5], $0x4000, $0x38;
	[tilespmem:$0x10100] =	vst v63  }
0x64: {  	_ =	swait.ge [sflag:s10], $0x4000  }
0x65: {  	[sflag:s10] =	ssyncset.done $0x0  }
0x66: {  	s20 =	sadd.s32 $0x1, s20  }
0x67: {  	p0 =	sne.s32 s20, s5  }
.Ltmp1:
0x68: {  	_ = 	snop;
	(pc) =	sbr.rel @p0 .LBB2_1-.Ltmp1, $2  }
0x69: {  	_ =	sdelay $0x2  }
0x6a: {  	[sflag:s10] =	ssyncadd.s32 $0xFFFFC000  }
0x6b: {  	_ =	sfence.sel $0x180000  }
0x6c: {  	[bflag:$0x0] =	sbarrier.arrive $0xFFFF  }
0x6d: {  	p0 =	sne.s32 s1, $0x0;
	_ =	strace $0x90000047  }
0x6e: {  	s0 =	sadd.s32 @!p0 $0x100000, s0;
	[bflag:$0x2] =	sbarrier.arrive $0xFFFF  }
0x6f: {  	[sflag:s0] =	ssyncadd.tile.s32 @!p0 $0x1;
	_ =	shalt  }
.Lfunc_end2:
_tile_overlayer_lowered:
.L_overlay_start_2:
0x70: {  	(tag) =	ssettag $0x2  }
0x71: {  	s0 =	rddreg [dreg:$0x0];
	s2 =	stileid.u32  }
0x72: {  	s1 =	rddreg [dreg:$0x1];
	p0 =	sne.s32 s2, $0x0  }
0x73: {  	s3 =	rddreg [dreg:$0x2];
	[bflag:$0x3] =	sbarrier.arrive $0xFFFF;
	s2 =	simm.s32 @!p0 $0x1C05  }
0x74: {  	[timem:s3], [sflag:s2] =	dma.local @!p0 [hbm:s0], s1  }
0x75: {  	s0 =	simm.s32 @!p0 $0x5  }
0x76: {  	_ =	swait.ge @!p0 [sflag:s0], s1  }
0x77: {  	s1 =	ssub.s32 @!p0 $0x0, s1;
	[sflag:s0] =	ssyncset.done @!p0 $0x0  }
0x78: {  	[sflag:s0] =	ssyncadd.s32 @!p0 s1  }
0x79: {  	[bflag:$0x3] =	sbarrier.arrive $0xFFFF  }
0x7a: {  	_ =	shalt  }

</sc_bundles>
